<compile_context>
chip_gen: v7x
topology: tpu7x:2x2x1
jax: 0.10.2.dev20260603
libtpu: 0.0.44.dev20260713+nightly
codegen_flags: <defaults>
</compile_context>

<pallas_src>
import functools

import jax
import jax.numpy as jnp
from jax import lax
from jax.experimental import pallas as pl
from jax.experimental.pallas import tpu as pltpu
from jax.experimental.pallas import tpu_sc as plsc

B, T, D = 16, 576, 64
TOKENS = B * T
K = 8192
TBLK = 512
KBLK = 2048
NC, NS = 2, 16
NW = NC * NS
BPW = TOKENS // NW
GCH = 96
NCH = BPW // GCH
BIG_I32 = 2**30


def _distances_block(x, w_ref, c):
    wc = w_ref[pl.ds(c * KBLK, KBLK), :]
    w2 = jnp.sum(wc * wc, axis=1, keepdims=True)
    x2 = jnp.sum(x * x, axis=1, keepdims=True)
    s = lax.dot_general(
        x.astype(jnp.bfloat16), wc.astype(jnp.bfloat16),
        (((1,), (1,)), ((), ())), preferred_element_type=jnp.float32)
    d2 = (x2 + w2.reshape(1, KBLK)) - 2.0 * s
    return jnp.sqrt(jnp.maximum(d2, 0.0))


def _argmin_over_codebook(x, w_ref, idx_ref, half_ref):
    run_min = jnp.full((TBLK, 1), jnp.inf, dtype=jnp.float32)
    run_idx = jnp.zeros((TBLK, 1), dtype=jnp.int32)
    for c in range(K // KBLK):
        ds = _distances_block(x, w_ref, c)
        m = jnp.min(ds, axis=1, keepdims=True)
        iota = lax.broadcasted_iota(jnp.int32, (TBLK, KBLK), 1) + c * KBLK
        i_local = jnp.min(jnp.where(ds == m, iota, BIG_I32), axis=1,
                          keepdims=True)
        better = m < run_min
        run_min = jnp.where(better, m, run_min)
        run_idx = jnp.where(better, i_local, run_idx)
    idx_ref[...] = run_idx
    half_ref[...] = run_idx >> 1


def _argmin_body1(x_ref, w_ref, idx_ref, half_ref):
    _argmin_over_codebook(x_ref[...], w_ref, idx_ref, half_ref)


def _argmin_body2(x_ref, qp_ref, i_ref, w_ref, idx_ref, half_ref):
    q_prev = _select_half(qp_ref[...], i_ref[...])
    _argmin_over_codebook(x_ref[...] - q_prev, w_ref, idx_ref, half_ref)


def _select_half(qp, idx):
    even = (idx & 1) == 0
    return jnp.where(even, qp[:, :D], qp[:, D:])


def _tc_argmin(stage2):
    body = _argmin_body2 if stage2 else _argmin_body1
    tok_spec = pl.BlockSpec((TBLK, D), lambda i: (i, 0))
    qp_spec = pl.BlockSpec((TBLK, 2 * D), lambda i: (i, 0))
    i_spec = pl.BlockSpec((TBLK, 1), lambda i: (i, 0))
    in_specs = [tok_spec] + ([qp_spec, i_spec] if stage2 else []) + [
        pl.BlockSpec((K, D), lambda i: (0, 0))]
    return pl.pallas_call(
        body,
        grid=(TOKENS // TBLK,),
        in_specs=in_specs,
        out_specs=[i_spec, i_spec],
        out_shape=[jax.ShapeDtypeStruct((TOKENS, 1), jnp.int32),
                   jax.ShapeDtypeStruct((TOKENS, 1), jnp.int32)],
    )


_argmin_stage1 = _tc_argmin(stage2=False)
_argmin_stage2 = _tc_argmin(stage2=True)


def _sc_gather_body(tbl_ref, idx_ref, out_ref, idx_v, r0, r1, r2, sem):
    wid = lax.axis_index("s") * NC + lax.axis_index("c")
    pltpu.sync_copy(idx_ref.at[wid], idx_v)
    bufs = (r0, r1, r2)
    copies = [
        pltpu.async_copy(tbl_ref.at[idx_v.at[j]], bufs[j], sem)
        for j in range(NCH)
    ]
    for cp in copies:
        cp.wait()
    for j in range(NCH):
        pltpu.sync_copy(bufs[j], out_ref.at[pl.ds(wid * BPW + j * GCH, GCH)])


@functools.cache
def _sc_gather():
    return pl.kernel(
        _sc_gather_body,
        mesh=plsc.VectorSubcoreMesh(core_axis_name="c", subcore_axis_name="s"),
        out_type=jax.ShapeDtypeStruct((TOKENS, 2 * D), jnp.float32),
        scratch_types=[
            pltpu.VMEM((NCH, GCH), jnp.int32),
            pltpu.VMEM((GCH, 2 * D), jnp.float32),
            pltpu.VMEM((GCH, 2 * D), jnp.float32),
            pltpu.VMEM((GCH, 2 * D), jnp.float32),
            pltpu.SemaphoreType.DMA,
        ],
    )


def _final_body(x_ref, q0p_ref, i0_ref, q1p_ref, i1_ref, loss_ref, out_ref):
    x = x_ref[...]
    q0 = _select_half(q0p_ref[...], i0_ref[...])
    q1 = _select_half(q1p_ref[...], i1_ref[...])
    r1 = x - q0
    r2 = r1 - q1
    code_sum = q0 + q1
    out_ref[...] = x + (code_sum - x)
    n = float(TOKENS * D)
    l1 = jnp.sum(r1 * r1) / n
    l2 = jnp.sum(r2 * r2) / n
    loss_ref[0, 0] = ((l1 + 0.25 * l1) + l2) + 0.25 * l2


_final = pl.pallas_call(
    _final_body,
    in_specs=[
        pl.BlockSpec((TOKENS, D), lambda: (0, 0)),
        pl.BlockSpec((TOKENS, 2 * D), lambda: (0, 0)),
        pl.BlockSpec((TOKENS, 1), lambda: (0, 0)),
        pl.BlockSpec((TOKENS, 2 * D), lambda: (0, 0)),
        pl.BlockSpec((TOKENS, 1), lambda: (0, 0)),
    ],
    out_specs=[
        pl.BlockSpec(memory_space=pltpu.SMEM),
        pl.BlockSpec((TOKENS, D), lambda: (0, 0)),
    ],
    out_shape=[
        jax.ShapeDtypeStruct((1, 1), jnp.float32),
        jax.ShapeDtypeStruct((TOKENS, D), jnp.float32),
    ],
)


def kernel(latent, W0, W1):
    x = latent.reshape(TOKENS, D)
    gather = _sc_gather()
    W0p = W0.reshape(K // 2, 2 * D)
    W1p = W1.reshape(K // 2, 2 * D)
    idx0, half0 = _argmin_stage1(x, W0)
    q0p = gather(W0p, half0.reshape(NW, NCH, GCH))
    idx1, half1 = _argmin_stage2(x, q0p, idx0, W1)
    q1p = gather(W1p, half1.reshape(NW, NCH, GCH))
    loss, out = _final(x, q0p, idx0, q1p, idx1)
    return loss[0, 0], out.reshape(B, T, D)

# --- scband reference (transcript-rebuilt; emitter-appended) ---
"""Pipeline reference for scband-vq-vae-88923002896789 (READ-ONLY COPY).

The authoritative reference and input builder live on the scoring server;
editing this copy changes nothing except your own understanding.
"""

import jax, jax.numpy as jnp
import numpy as np

COMMITMENT_COST = 0.25

def _cdist(x, w):
    # Euclidean distance between x [B, T, D] and w [K, D] -> [B, T, K]
    x2 = jnp.sum(x * x, axis=-1, keepdims=True)
    w2 = jnp.sum(w * w, axis=-1)
    d2 = x2 + w2[None, None, :] - 2.0 * jnp.einsum('btd,kd->btk', x, w)
    return jnp.sqrt(jnp.maximum(d2, 0.0))

def setup_inputs(seed: int = 0) -> dict:
    key = jax.random.key(seed)
    k1, k2, k3 = jax.random.split(key, 3)
    latent = jax.random.normal(k1, (16, 576, 64), dtype=jnp.float32)
    W0 = jax.random.uniform(k2, (8192, 64), minval=-0.5, maxval=0.5, dtype=jnp.float32)
    W1 = jax.random.uniform(k3, (8192, 64), minval=-0.5, maxval=0.5, dtype=jnp.float32)
    return {"latent": latent, "W0": W0, "W1": W1}

def reference(latent, W0, W1):
    loss = jnp.asarray(0.0, dtype=jnp.float32)
    curr_residual = latent
    code_sum = jnp.zeros_like(latent)
    for W in (W0, W1):
        distances = _cdist(curr_residual, W)
        min_distance_index = jnp.argmin(distances, axis=-1)
        quantised = jnp.take(W, min_distance_index, axis=0)
        codebook_loss = jnp.mean((quantised - jax.lax.stop_gradient(curr_residual)) ** 2)
        commitment_loss = jnp.mean((jax.lax.stop_gradient(quantised) - curr_residual) ** 2)
        loss = loss + codebook_loss + COMMITMENT_COST * commitment_loss
        code_sum = code_sum + quantised
        curr_residual = curr_residual - quantised
    quantised_out = latent + jax.lax.stop_gradient(code_sum - latent)
    return (loss, quantised_out)

if __name__ == "__main__":
    import jax
    _d = setup_inputs()
    print(jax.jit(kernel)(*tuple(_d.values())))

</pallas_src>

<mosaic_0001>
#map = affine_map<(d0, d1) -> (0, 0)>
#map1 = affine_map<(d0, d1) -> (0, 0, 0)>
module attributes {stable_mosaic.version = 14 : i64} {
  func.func @_sc_gather_body(%arg0: i32, %arg1: i32, %arg2: memref<4096x128xf32, #tpu.memory_space<hbm>>, %arg3: memref<32x3x96xi32, #tpu.memory_space<hbm>>, %arg4: memref<9216x128xf32, #tpu.memory_space<hbm>>, %arg5: memref<3x96xi32, #tpu.memory_space<vmem>>, %arg6: memref<96x128xf32, #tpu.memory_space<vmem>>, %arg7: memref<96x128xf32, #tpu.memory_space<vmem>>, %arg8: memref<96x128xf32, #tpu.memory_space<vmem>>, %arg9: memref<!tpu.dma_semaphore, #tpu.memory_space<semaphore_mem>>) attributes {dimension_semantics = [#tpu.dimension_semantics<core_parallel>, #tpu.dimension_semantics<subcore_parallel>], iteration_bounds = array<i64: 2, 16>, scalar_prefetch = 0 : i64, scratch_operands = 5 : i64, tpu.core_type = #tpu.core_type<sc_vector_subcore>, window_params = [{transform_indices = #map}, {transform_indices = #map1}, {transform_indices = #map}]} {
    %mul3A = arith.constant 2 : i32
    %mul3A_0 = arith.muli %arg1, %mul3A : i32
    %add3A = arith.addi %mul3A_0, %arg0 : i32
    "tpu.region"() ({
      %run_scoped3A = tpu.sem_alloc : memref<!tpu.dma_semaphore, #tpu.memory_space<semaphore_mem>>
      %dma_start3A_53 = arith.constant 0 : i32
      %dma_start3A_54 = arith.constant 0 : i32
      %dma_start3A_55 = tpu.memref_slice %arg3[%add3A, %dma_start3A_53, %dma_start3A_54] : memref<32x3x96xi32, #tpu.memory_space<hbm>> -> memref<1x3x96xi32, #tpu.memory_space<hbm>>
      %dma_start3A_56 = tpu.memref_squeeze %dma_start3A_55 : memref<1x3x96xi32, #tpu.memory_space<hbm>> -> memref<3x96xi32, #tpu.memory_space<hbm>>
      %dma_start3A_57 = arith.constant 0 : i32
      %dma_start3A_58 = arith.constant 0 : i32
      %dma_start3A_59 = tpu.memref_slice %arg3[%add3A, %dma_start3A_57, %dma_start3A_58] : memref<32x3x96xi32, #tpu.memory_space<hbm>> -> memref<1x3x96xi32, #tpu.memory_space<hbm>>
      %dma_start3A_60 = tpu.memref_squeeze %dma_start3A_59 : memref<1x3x96xi32, #tpu.memory_space<hbm>> -> memref<3x96xi32, #tpu.memory_space<hbm>>
      tpu.enqueue_dma source(%dma_start3A_60 : memref<3x96xi32, #tpu.memory_space<hbm>>) target(%arg5 : memref<3x96xi32, #tpu.memory_space<vmem>>) target_semaphore(%run_scoped3A : memref<!tpu.dma_semaphore, #tpu.memory_space<semaphore_mem>>)
      %dma_wait3A_61 = arith.constant 0 : i32
      %dma_wait3A_62 = arith.constant 0 : i32
      %dma_wait3A_63 = tpu.memref_slice %arg3[%add3A, %dma_wait3A_61, %dma_wait3A_62] : memref<32x3x96xi32, #tpu.memory_space<hbm>> -> memref<1x3x96xi32, #tpu.memory_space<hbm>>
      %dma_wait3A_64 = tpu.memref_squeeze %dma_wait3A_63 : memref<1x3x96xi32, #tpu.memory_space<hbm>> -> memref<3x96xi32, #tpu.memory_space<hbm>>
      %dma_wait3A_65 = arith.constant 0 : i32
      %dma_wait3A_66 = arith.constant 0 : i32
      %dma_wait3A_67 = tpu.memref_slice %arg3[%add3A, %dma_wait3A_65, %dma_wait3A_66] : memref<32x3x96xi32, #tpu.memory_space<hbm>> -> memref<1x3x96xi32, #tpu.memory_space<hbm>>
      %dma_wait3A_68 = tpu.memref_squeeze %dma_wait3A_67 : memref<1x3x96xi32, #tpu.memory_space<hbm>> -> memref<3x96xi32, #tpu.memory_space<hbm>>
      tpu.wait_dma2 semaphore(%run_scoped3A : memref<!tpu.dma_semaphore, #tpu.memory_space<semaphore_mem>>) src(%dma_wait3A_68 : memref<3x96xi32, #tpu.memory_space<hbm>>) dst(%arg5 : memref<3x96xi32, #tpu.memory_space<vmem>>)
      tpu.yield
    }) : () -> ()
    %dma_start3A = arith.constant 0 : i32
    %dma_start3A_1 = arith.constant 0 : i32
    %dma_start3A_2 = tpu.memref_slice %arg5[%dma_start3A, %dma_start3A_1] : memref<3x96xi32, #tpu.memory_space<vmem>> -> memref<1x96xi32, #tpu.memory_space<vmem>>
    %dma_start3A_3 = tpu.memref_squeeze %dma_start3A_2 : memref<1x96xi32, #tpu.memory_space<vmem>> -> memref<96xi32, #tpu.memory_space<vmem>>
    %dma_start3A_4 = arith.constant 0 : i32
    %dma_start3A_5 = arith.constant 0 : i32
    %dma_start3A_6 = tpu.memref_slice %arg2[%dma_start3A_4, %dma_start3A_5] : memref<4096x128xf32, #tpu.memory_space<hbm>> -> memref<4096x128xf32, #tpu.memory_space<hbm>>
    tpu.enqueue_indirect_dma source(%dma_start3A_6 : memref<4096x128xf32, #tpu.memory_space<hbm>>) target(%arg6 : memref<96x128xf32, #tpu.memory_space<vmem>>) offsets(%dma_start3A_3 : memref<96xi32, #tpu.memory_space<vmem>>) semaphore(%arg9 : memref<!tpu.dma_semaphore, #tpu.memory_space<semaphore_mem>>)
    %dma_start3A_7 = arith.constant 1 : i32
    %dma_start3A_8 = arith.constant 0 : i32
    %dma_start3A_9 = tpu.memref_slice %arg5[%dma_start3A_7, %dma_start3A_8] : memref<3x96xi32, #tpu.memory_space<vmem>> -> memref<1x96xi32, #tpu.memory_space<vmem>>
    %dma_start3A_10 = tpu.memref_squeeze %dma_start3A_9 : memref<1x96xi32, #tpu.memory_space<vmem>> -> memref<96xi32, #tpu.memory_space<vmem>>
    %dma_start3A_11 = arith.constant 0 : i32
    %dma_start3A_12 = arith.constant 0 : i32
    %dma_start3A_13 = tpu.memref_slice %arg2[%dma_start3A_11, %dma_start3A_12] : memref<4096x128xf32, #tpu.memory_space<hbm>> -> memref<4096x128xf32, #tpu.memory_space<hbm>>
    tpu.enqueue_indirect_dma source(%dma_start3A_13 : memref<4096x128xf32, #tpu.memory_space<hbm>>) target(%arg7 : memref<96x128xf32, #tpu.memory_space<vmem>>) offsets(%dma_start3A_10 : memref<96xi32, #tpu.memory_space<vmem>>) semaphore(%arg9 : memref<!tpu.dma_semaphore, #tpu.memory_space<semaphore_mem>>)
    %dma_start3A_14 = arith.constant 2 : i32
    %dma_start3A_15 = arith.constant 0 : i32
    %dma_start3A_16 = tpu.memref_slice %arg5[%dma_start3A_14, %dma_start3A_15] : memref<3x96xi32, #tpu.memory_space<vmem>> -> memref<1x96xi32, #tpu.memory_space<vmem>>
    %dma_start3A_17 = tpu.memref_squeeze %dma_start3A_16 : memref<1x96xi32, #tpu.memory_space<vmem>> -> memref<96xi32, #tpu.memory_space<vmem>>
    %dma_start3A_18 = arith.constant 0 : i32
    %dma_start3A_19 = arith.constant 0 : i32
    %dma_start3A_20 = tpu.memref_slice %arg2[%dma_start3A_18, %dma_start3A_19] : memref<4096x128xf32, #tpu.memory_space<hbm>> -> memref<4096x128xf32, #tpu.memory_space<hbm>>
    tpu.enqueue_indirect_dma source(%dma_start3A_20 : memref<4096x128xf32, #tpu.memory_space<hbm>>) target(%arg8 : memref<96x128xf32, #tpu.memory_space<vmem>>) offsets(%dma_start3A_17 : memref<96xi32, #tpu.memory_space<vmem>>) semaphore(%arg9 : memref<!tpu.dma_semaphore, #tpu.memory_space<semaphore_mem>>)
    %dma_wait3A = arith.constant 0 : i32
    %dma_wait3A_21 = arith.constant 0 : i32
    %dma_wait3A_22 = tpu.memref_slice %arg5[%dma_wait3A, %dma_wait3A_21] : memref<3x96xi32, #tpu.memory_space<vmem>> -> memref<1x96xi32, #tpu.memory_space<vmem>>
    %dma_wait3A_23 = tpu.memref_squeeze %dma_wait3A_22 : memref<1x96xi32, #tpu.memory_space<vmem>> -> memref<96xi32, #tpu.memory_space<vmem>>
    %dma_wait3A_24 = arith.constant 0 : i32
    %dma_wait3A_25 = arith.constant 0 : i32
    %dma_wait3A_26 = tpu.memref_slice %arg2[%dma_wait3A_24, %dma_wait3A_25] : memref<4096x128xf32, #tpu.memory_space<hbm>> -> memref<4096x128xf32, #tpu.memory_space<hbm>>
    tpu.wait_indirect_dma semaphore(%arg9 : memref<!tpu.dma_semaphore, #tpu.memory_space<semaphore_mem>>) src(%dma_wait3A_26 : memref<4096x128xf32, #tpu.memory_space<hbm>>) dst(%arg6 : memref<96x128xf32, #tpu.memory_space<vmem>>)
    %dma_wait3A_27 = arith.constant 1 : i32
    %dma_wait3A_28 = arith.constant 0 : i32
    %dma_wait3A_29 = tpu.memref_slice %arg5[%dma_wait3A_27, %dma_wait3A_28] : memref<3x96xi32, #tpu.memory_space<vmem>> -> memref<1x96xi32, #tpu.memory_space<vmem>>
    %dma_wait3A_30 = tpu.memref_squeeze %dma_wait3A_29 : memref<1x96xi32, #tpu.memory_space<vmem>> -> memref<96xi32, #tpu.memory_space<vmem>>
    %dma_wait3A_31 = arith.constant 0 : i32
    %dma_wait3A_32 = arith.constant 0 : i32
    %dma_wait3A_33 = tpu.memref_slice %arg2[%dma_wait3A_31, %dma_wait3A_32] : memref<4096x128xf32, #tpu.memory_space<hbm>> -> memref<4096x128xf32, #tpu.memory_space<hbm>>
    tpu.wait_indirect_dma semaphore(%arg9 : memref<!tpu.dma_semaphore, #tpu.memory_space<semaphore_mem>>) src(%dma_wait3A_33 : memref<4096x128xf32, #tpu.memory_space<hbm>>) dst(%arg7 : memref<96x128xf32, #tpu.memory_space<vmem>>)
    %dma_wait3A_34 = arith.constant 2 : i32
    %dma_wait3A_35 = arith.constant 0 : i32
    %dma_wait3A_36 = tpu.memref_slice %arg5[%dma_wait3A_34, %dma_wait3A_35] : memref<3x96xi32, #tpu.memory_space<vmem>> -> memref<1x96xi32, #tpu.memory_space<vmem>>
    %dma_wait3A_37 = tpu.memref_squeeze %dma_wait3A_36 : memref<1x96xi32, #tpu.memory_space<vmem>> -> memref<96xi32, #tpu.memory_space<vmem>>
    %dma_wait3A_38 = arith.constant 0 : i32
    %dma_wait3A_39 = arith.constant 0 : i32
    %dma_wait3A_40 = tpu.memref_slice %arg2[%dma_wait3A_38, %dma_wait3A_39] : memref<4096x128xf32, #tpu.memory_space<hbm>> -> memref<4096x128xf32, #tpu.memory_space<hbm>>
    tpu.wait_indirect_dma semaphore(%arg9 : memref<!tpu.dma_semaphore, #tpu.memory_space<semaphore_mem>>) src(%dma_wait3A_40 : memref<4096x128xf32, #tpu.memory_space<hbm>>) dst(%arg8 : memref<96x128xf32, #tpu.memory_space<vmem>>)
    %mul3A_41 = arith.constant 288 : i32
    %mul3A_42 = arith.muli %add3A, %mul3A_41 : i32
    %add3A_43 = arith.constant 0 : i32
    %add3A_44 = arith.addi %mul3A_42, %add3A_43 : i32
    "tpu.region"() ({
      %run_scoped3A = tpu.sem_alloc : memref<!tpu.dma_semaphore, #tpu.memory_space<semaphore_mem>>
      %dma_start3A_53 = arith.constant 0 : i32
      %dma_start3A_54 = tpu.memref_slice %arg4[%add3A_44, %dma_start3A_53] : memref<9216x128xf32, #tpu.memory_space<hbm>> -> memref<96x128xf32, #tpu.memory_space<hbm>>
      %dma_start3A_55 = arith.constant 0 : i32
      %dma_start3A_56 = tpu.memref_slice %arg4[%add3A_44, %dma_start3A_55] : memref<9216x128xf32, #tpu.memory_space<hbm>> -> memref<96x128xf32, #tpu.memory_space<hbm>>
      tpu.enqueue_dma source(%arg6 : memref<96x128xf32, #tpu.memory_space<vmem>>) target(%dma_start3A_56 : memref<96x128xf32, #tpu.memory_space<hbm>>) target_semaphore(%run_scoped3A : memref<!tpu.dma_semaphore, #tpu.memory_space<semaphore_mem>>)
      %dma_wait3A_57 = arith.constant 0 : i32
      %dma_wait3A_58 = tpu.memref_slice %arg4[%add3A_44, %dma_wait3A_57] : memref<9216x128xf32, #tpu.memory_space<hbm>> -> memref<96x128xf32, #tpu.memory_space<hbm>>
      %dma_wait3A_59 = arith.constant 0 : i32
      %dma_wait3A_60 = tpu.memref_slice %arg4[%add3A_44, %dma_wait3A_59] : memref<9216x128xf32, #tpu.memory_space<hbm>> -> memref<96x128xf32, #tpu.memory_space<hbm>>
      tpu.wait_dma2 semaphore(%run_scoped3A : memref<!tpu.dma_semaphore, #tpu.memory_space<semaphore_mem>>) src(%arg6 : memref<96x128xf32, #tpu.memory_space<vmem>>) dst(%dma_wait3A_60 : memref<96x128xf32, #tpu.memory_space<hbm>>)
      tpu.yield
    }) : () -> ()
    %mul3A_45 = arith.constant 288 : i32
    %mul3A_46 = arith.muli %add3A, %mul3A_45 : i32
    %add3A_47 = arith.constant 96 : i32
    %add3A_48 = arith.addi %mul3A_46, %add3A_47 : i32
    "tpu.region"() ({
      %run_scoped3A = tpu.sem_alloc : memref<!tpu.dma_semaphore, #tpu.memory_space<semaphore_mem>>
      %dma_start3A_53 = arith.constant 0 : i32
      %dma_start3A_54 = tpu.memref_slice %arg4[%add3A_48, %dma_start3A_53] : memref<9216x128xf32, #tpu.memory_space<hbm>> -> memref<96x128xf32, #tpu.memory_space<hbm>>
      %dma_start3A_55 = arith.constant 0 : i32
      %dma_start3A_56 = tpu.memref_slice %arg4[%add3A_48, %dma_start3A_55] : memref<9216x128xf32, #tpu.memory_space<hbm>> -> memref<96x128xf32, #tpu.memory_space<hbm>>
      tpu.enqueue_dma source(%arg7 : memref<96x128xf32, #tpu.memory_space<vmem>>) target(%dma_start3A_56 : memref<96x128xf32, #tpu.memory_space<hbm>>) target_semaphore(%run_scoped3A : memref<!tpu.dma_semaphore, #tpu.memory_space<semaphore_mem>>)
      %dma_wait3A_57 = arith.constant 0 : i32
      %dma_wait3A_58 = tpu.memref_slice %arg4[%add3A_48, %dma_wait3A_57] : memref<9216x128xf32, #tpu.memory_space<hbm>> -> memref<96x128xf32, #tpu.memory_space<hbm>>
      %dma_wait3A_59 = arith.constant 0 : i32
      %dma_wait3A_60 = tpu.memref_slice %arg4[%add3A_48, %dma_wait3A_59] : memref<9216x128xf32, #tpu.memory_space<hbm>> -> memref<96x128xf32, #tpu.memory_space<hbm>>
      tpu.wait_dma2 semaphore(%run_scoped3A : memref<!tpu.dma_semaphore, #tpu.memory_space<semaphore_mem>>) src(%arg7 : memref<96x128xf32, #tpu.memory_space<vmem>>) dst(%dma_wait3A_60 : memref<96x128xf32, #tpu.memory_space<hbm>>)
      tpu.yield
    }) : () -> ()
    %mul3A_49 = arith.constant 288 : i32
    %mul3A_50 = arith.muli %add3A, %mul3A_49 : i32
    %add3A_51 = arith.constant 192 : i32
    %add3A_52 = arith.addi %mul3A_50, %add3A_51 : i32
    "tpu.region"() ({
      %run_scoped3A = tpu.sem_alloc : memref<!tpu.dma_semaphore, #tpu.memory_space<semaphore_mem>>
      %dma_start3A_53 = arith.constant 0 : i32
      %dma_start3A_54 = tpu.memref_slice %arg4[%add3A_52, %dma_start3A_53] : memref<9216x128xf32, #tpu.memory_space<hbm>> -> memref<96x128xf32, #tpu.memory_space<hbm>>
      %dma_start3A_55 = arith.constant 0 : i32
      %dma_start3A_56 = tpu.memref_slice %arg4[%add3A_52, %dma_start3A_55] : memref<9216x128xf32, #tpu.memory_space<hbm>> -> memref<96x128xf32, #tpu.memory_space<hbm>>
      tpu.enqueue_dma source(%arg8 : memref<96x128xf32, #tpu.memory_space<vmem>>) target(%dma_start3A_56 : memref<96x128xf32, #tpu.memory_space<hbm>>) target_semaphore(%run_scoped3A : memref<!tpu.dma_semaphore, #tpu.memory_space<semaphore_mem>>)
      %dma_wait3A_57 = arith.constant 0 : i32
      %dma_wait3A_58 = tpu.memref_slice %arg4[%add3A_52, %dma_wait3A_57] : memref<9216x128xf32, #tpu.memory_space<hbm>> -> memref<96x128xf32, #tpu.memory_space<hbm>>
      %dma_wait3A_59 = arith.constant 0 : i32
      %dma_wait3A_60 = tpu.memref_slice %arg4[%add3A_52, %dma_wait3A_59] : memref<9216x128xf32, #tpu.memory_space<hbm>> -> memref<96x128xf32, #tpu.memory_space<hbm>>
      tpu.wait_dma2 semaphore(%run_scoped3A : memref<!tpu.dma_semaphore, #tpu.memory_space<semaphore_mem>>) src(%arg8 : memref<96x128xf32, #tpu.memory_space<vmem>>) dst(%dma_wait3A_60 : memref<96x128xf32, #tpu.memory_space<hbm>>)
      tpu.yield
    }) : () -> ()
    return
  }
}

#map = affine_map<(d0, d1) -> (0, 0)>
#map1 = affine_map<(d0, d1) -> (0, 0, 0)>
module attributes {stable_mosaic.version = 14 : i64} {
  func.func @_sc_gather_body(%arg0: i32, %arg1: i32, %arg2: memref<4096x128xf32, #tpu.memory_space<hbm>>, %arg3: memref<32x3x96xi32, #tpu.memory_space<hbm>>, %arg4: memref<9216x128xf32, #tpu.memory_space<hbm>>, %arg5: memref<3x96xi32, #tpu.memory_space<vmem>>, %arg6: memref<96x128xf32, #tpu.memory_space<vmem>>, %arg7: memref<96x128xf32, #tpu.memory_space<vmem>>, %arg8: memref<96x128xf32, #tpu.memory_space<vmem>>, %arg9: memref<!tpu.dma_semaphore, #tpu.memory_space<semaphore_mem>>) attributes {dimension_semantics = [#tpu.dimension_semantics<core_parallel>, #tpu.dimension_semantics<subcore_parallel>], iteration_bounds = array<i64: 2, 16>, scalar_prefetch = 0 : i64, scratch_operands = 5 : i64, tpu.core_type = #tpu.core_type<sc_vector_subcore>, window_params = [{transform_indices = #map}, {transform_indices = #map1}, {transform_indices = #map}]} {
    %mul3A = arith.constant 2 : i32
    %mul3A_0 = arith.muli %arg1, %mul3A : i32
    %add3A = arith.addi %mul3A_0, %arg0 : i32
    "tpu.region"() ({
      %run_scoped3A = tpu.sem_alloc : memref<!tpu.dma_semaphore, #tpu.memory_space<semaphore_mem>>
      %dma_start3A_53 = arith.constant 0 : i32
      %dma_start3A_54 = arith.constant 0 : i32
      %dma_start3A_55 = tpu.memref_slice %arg3[%add3A, %dma_start3A_53, %dma_start3A_54] : memref<32x3x96xi32, #tpu.memory_space<hbm>> -> memref<1x3x96xi32, #tpu.memory_space<hbm>>
      %dma_start3A_56 = tpu.memref_squeeze %dma_start3A_55 : memref<1x3x96xi32, #tpu.memory_space<hbm>> -> memref<3x96xi32, #tpu.memory_space<hbm>>
      %dma_start3A_57 = arith.constant 0 : i32
      %dma_start3A_58 = arith.constant 0 : i32
      %dma_start3A_59 = tpu.memref_slice %arg3[%add3A, %dma_start3A_57, %dma_start3A_58] : memref<32x3x96xi32, #tpu.memory_space<hbm>> -> memref<1x3x96xi32, #tpu.memory_space<hbm>>
      %dma_start3A_60 = tpu.memref_squeeze %dma_start3A_59 : memref<1x3x96xi32, #tpu.memory_space<hbm>> -> memref<3x96xi32, #tpu.memory_space<hbm>>
      tpu.enqueue_dma source(%dma_start3A_60 : memref<3x96xi32, #tpu.memory_space<hbm>>) target(%arg5 : memref<3x96xi32, #tpu.memory_space<vmem>>) target_semaphore(%run_scoped3A : memref<!tpu.dma_semaphore, #tpu.memory_space<semaphore_mem>>)
      %dma_wait3A_61 = arith.constant 0 : i32
      %dma_wait3A_62 = arith.constant 0 : i32
      %dma_wait3A_63 = tpu.memref_slice %arg3[%add3A, %dma_wait3A_61, %dma_wait3A_62] : memref<32x3x96xi32, #tpu.memory_space<hbm>> -> memref<1x3x96xi32, #tpu.memory_space<hbm>>
      %dma_wait3A_64 = tpu.memref_squeeze %dma_wait3A_63 : memref<1x3x96xi32, #tpu.memory_space<hbm>> -> memref<3x96xi32, #tpu.memory_space<hbm>>
      %dma_wait3A_65 = arith.constant 0 : i32
      %dma_wait3A_66 = arith.constant 0 : i32
      %dma_wait3A_67 = tpu.memref_slice %arg3[%add3A, %dma_wait3A_65, %dma_wait3A_66] : memref<32x3x96xi32, #tpu.memory_space<hbm>> -> memref<1x3x96xi32, #tpu.memory_space<hbm>>
      %dma_wait3A_68 = tpu.memref_squeeze %dma_wait3A_67 : memref<1x3x96xi32, #tpu.memory_space<hbm>> -> memref<3x96xi32, #tpu.memory_space<hbm>>
      tpu.wait_dma2 semaphore(%run_scoped3A : memref<!tpu.dma_semaphore, #tpu.memory_space<semaphore_mem>>) src(%dma_wait3A_68 : memref<3x96xi32, #tpu.memory_space<hbm>>) dst(%arg5 : memref<3x96xi32, #tpu.memory_space<vmem>>)
      tpu.yield
    }) : () -> ()
    %dma_start3A = arith.constant 0 : i32
    %dma_start3A_1 = arith.constant 0 : i32
    %dma_start3A_2 = tpu.memref_slice %arg5[%dma_start3A, %dma_start3A_1] : memref<3x96xi32, #tpu.memory_space<vmem>> -> memref<1x96xi32, #tpu.memory_space<vmem>>
    %dma_start3A_3 = tpu.memref_squeeze %dma_start3A_2 : memref<1x96xi32, #tpu.memory_space<vmem>> -> memref<96xi32, #tpu.memory_space<vmem>>
    %dma_start3A_4 = arith.constant 0 : i32
    %dma_start3A_5 = arith.constant 0 : i32
    %dma_start3A_6 = tpu.memref_slice %arg2[%dma_start3A_4, %dma_start3A_5] : memref<4096x128xf32, #tpu.memory_space<hbm>> -> memref<4096x128xf32, #tpu.memory_space<hbm>>
    tpu.enqueue_indirect_dma source(%dma_start3A_6 : memref<4096x128xf32, #tpu.memory_space<hbm>>) target(%arg6 : memref<96x128xf32, #tpu.memory_space<vmem>>) offsets(%dma_start3A_3 : memref<96xi32, #tpu.memory_space<vmem>>) semaphore(%arg9 : memref<!tpu.dma_semaphore, #tpu.memory_space<semaphore_mem>>)
    %dma_start3A_7 = arith.constant 1 : i32
    %dma_start3A_8 = arith.constant 0 : i32
    %dma_start3A_9 = tpu.memref_slice %arg5[%dma_start3A_7, %dma_start3A_8] : memref<3x96xi32, #tpu.memory_space<vmem>> -> memref<1x96xi32, #tpu.memory_space<vmem>>
    %dma_start3A_10 = tpu.memref_squeeze %dma_start3A_9 : memref<1x96xi32, #tpu.memory_space<vmem>> -> memref<96xi32, #tpu.memory_space<vmem>>
    %dma_start3A_11 = arith.constant 0 : i32
    %dma_start3A_12 = arith.constant 0 : i32
    %dma_start3A_13 = tpu.memref_slice %arg2[%dma_start3A_11, %dma_start3A_12] : memref<4096x128xf32, #tpu.memory_space<hbm>> -> memref<4096x128xf32, #tpu.memory_space<hbm>>
    tpu.enqueue_indirect_dma source(%dma_start3A_13 : memref<4096x128xf32, #tpu.memory_space<hbm>>) target(%arg7 : memref<96x128xf32, #tpu.memory_space<vmem>>) offsets(%dma_start3A_10 : memref<96xi32, #tpu.memory_space<vmem>>) semaphore(%arg9 : memref<!tpu.dma_semaphore, #tpu.memory_space<semaphore_mem>>)
    %dma_start3A_14 = arith.constant 2 : i32
    %dma_start3A_15 = arith.constant 0 : i32
    %dma_start3A_16 = tpu.memref_slice %arg5[%dma_start3A_14, %dma_start3A_15] : memref<3x96xi32, #tpu.memory_space<vmem>> -> memref<1x96xi32, #tpu.memory_space<vmem>>
    %dma_start3A_17 = tpu.memref_squeeze %dma_start3A_16 : memref<1x96xi32, #tpu.memory_space<vmem>> -> memref<96xi32, #tpu.memory_space<vmem>>
    %dma_start3A_18 = arith.constant 0 : i32
    %dma_start3A_19 = arith.constant 0 : i32
    %dma_start3A_20 = tpu.memref_slice %arg2[%dma_start3A_18, %dma_start3A_19] : memref<4096x128xf32, #tpu.memory_space<hbm>> -> memref<4096x128xf32, #tpu.memory_space<hbm>>
    tpu.enqueue_indirect_dma source(%dma_start3A_20 : memref<4096x128xf32, #tpu.memory_space<hbm>>) target(%arg8 : memref<96x128xf32, #tpu.memory_space<vmem>>) offsets(%dma_start3A_17 : memref<96xi32, #tpu.memory_space<vmem>>) semaphore(%arg9 : memref<!tpu.dma_semaphore, #tpu.memory_space<semaphore_mem>>)
    %dma_wait3A = arith.constant 0 : i32
    %dma_wait3A_21 = arith.constant 0 : i32
    %dma_wait3A_22 = tpu.memref_slice %arg5[%dma_wait3A, %dma_wait3A_21] : memref<3x96xi32, #tpu.memory_space<vmem>> -> memref<1x96xi32, #tpu.memory_space<vmem>>
    %dma_wait3A_23 = tpu.memref_squeeze %dma_wait3A_22 : memref<1x96xi32, #tpu.memory_space<vmem>> -> memref<96xi32, #tpu.memory_space<vmem>>
    %dma_wait3A_24 = arith.constant 0 : i32
    %dma_wait3A_25 = arith.constant 0 : i32
    %dma_wait3A_26 = tpu.memref_slice %arg2[%dma_wait3A_24, %dma_wait3A_25] : memref<4096x128xf32, #tpu.memory_space<hbm>> -> memref<4096x128xf32, #tpu.memory_space<hbm>>
    tpu.wait_indirect_dma semaphore(%arg9 : memref<!tpu.dma_semaphore, #tpu.memory_space<semaphore_mem>>) src(%dma_wait3A_26 : memref<4096x128xf32, #tpu.memory_space<hbm>>) dst(%arg6 : memref<96x128xf32, #tpu.memory_space<vmem>>)
    %dma_wait3A_27 = arith.constant 1 : i32
    %dma_wait3A_28 = arith.constant 0 : i32
    %dma_wait3A_29 = tpu.memref_slice %arg5[%dma_wait3A_27, %dma_wait3A_28] : memref<3x96xi32, #tpu.memory_space<vmem>> -> memref<1x96xi32, #tpu.memory_space<vmem>>
    %dma_wait3A_30 = tpu.memref_squeeze %dma_wait3A_29 : memref<1x96xi32, #tpu.memory_space<vmem>> -> memref<96xi32, #tpu.memory_space<vmem>>
    %dma_wait3A_31 = arith.constant 0 : i32
    %dma_wait3A_32 = arith.constant 0 : i32
    %dma_wait3A_33 = tpu.memref_slice %arg2[%dma_wait3A_31, %dma_wait3A_32] : memref<4096x128xf32, #tpu.memory_space<hbm>> -> memref<4096x128xf32, #tpu.memory_space<hbm>>
    tpu.wait_indirect_dma semaphore(%arg9 : memref<!tpu.dma_semaphore, #tpu.memory_space<semaphore_mem>>) src(%dma_wait3A_33 : memref<4096x128xf32, #tpu.memory_space<hbm>>) dst(%arg7 : memref<96x128xf32, #tpu.memory_space<vmem>>)
    %dma_wait3A_34 = arith.constant 2 : i32
    %dma_wait3A_35 = arith.constant 0 : i32
    %dma_wait3A_36 = tpu.memref_slice %arg5[%dma_wait3A_34, %dma_wait3A_35] : memref<3x96xi32, #tpu.memory_space<vmem>> -> memref<1x96xi32, #tpu.memory_space<vmem>>
    %dma_wait3A_37 = tpu.memref_squeeze %dma_wait3A_36 : memref<1x96xi32, #tpu.memory_space<vmem>> -> memref<96xi32, #tpu.memory_space<vmem>>
    %dma_wait3A_38 = arith.constant 0 : i32
    %dma_wait3A_39 = arith.constant 0 : i32
    %dma_wait3A_40 = tpu.memref_slice %arg2[%dma_wait3A_38, %dma_wait3A_39] : memref<4096x128xf32, #tpu.memory_space<hbm>> -> memref<4096x128xf32, #tpu.memory_space<hbm>>
    tpu.wait_indirect_dma semaphore(%arg9 : memref<!tpu.dma_semaphore, #tpu.memory_space<semaphore_mem>>) src(%dma_wait3A_40 : memref<4096x128xf32, #tpu.memory_space<hbm>>) dst(%arg8 : memref<96x128xf32, #tpu.memory_space<vmem>>)
    %mul3A_41 = arith.constant 288 : i32
    %mul3A_42 = arith.muli %add3A, %mul3A_41 : i32
    %add3A_43 = arith.constant 0 : i32
    %add3A_44 = arith.addi %mul3A_42, %add3A_43 : i32
    "tpu.region"() ({
      %run_scoped3A = tpu.sem_alloc : memref<!tpu.dma_semaphore, #tpu.memory_space<semaphore_mem>>
      %dma_start3A_53 = arith.constant 0 : i32
      %dma_start3A_54 = tpu.memref_slice %arg4[%add3A_44, %dma_start3A_53] : memref<9216x128xf32, #tpu.memory_space<hbm>> -> memref<96x128xf32, #tpu.memory_space<hbm>>
      %dma_start3A_55 = arith.constant 0 : i32
      %dma_start3A_56 = tpu.memref_slice %arg4[%add3A_44, %dma_start3A_55] : memref<9216x128xf32, #tpu.memory_space<hbm>> -> memref<96x128xf32, #tpu.memory_space<hbm>>
      tpu.enqueue_dma source(%arg6 : memref<96x128xf32, #tpu.memory_space<vmem>>) target(%dma_start3A_56 : memref<96x128xf32, #tpu.memory_space<hbm>>) target_semaphore(%run_scoped3A : memref<!tpu.dma_semaphore, #tpu.memory_space<semaphore_mem>>)
      %dma_wait3A_57 = arith.constant 0 : i32
      %dma_wait3A_58 = tpu.memref_slice %arg4[%add3A_44, %dma_wait3A_57] : memref<9216x128xf32, #tpu.memory_space<hbm>> -> memref<96x128xf32, #tpu.memory_space<hbm>>
      %dma_wait3A_59 = arith.constant 0 : i32
      %dma_wait3A_60 = tpu.memref_slice %arg4[%add3A_44, %dma_wait3A_59] : memref<9216x128xf32, #tpu.memory_space<hbm>> -> memref<96x128xf32, #tpu.memory_space<hbm>>
      tpu.wait_dma2 semaphore(%run_scoped3A : memref<!tpu.dma_semaphore, #tpu.memory_space<semaphore_mem>>) src(%arg6 : memref<96x128xf32, #tpu.memory_space<vmem>>) dst(%dma_wait3A_60 : memref<96x128xf32, #tpu.memory_space<hbm>>)
      tpu.yield
    }) : () -> ()
    %mul3A_45 = arith.constant 288 : i32
    %mul3A_46 = arith.muli %add3A, %mul3A_45 : i32
    %add3A_47 = arith.constant 96 : i32
    %add3A_48 = arith.addi %mul3A_46, %add3A_47 : i32
    "tpu.region"() ({
      %run_scoped3A = tpu.sem_alloc : memref<!tpu.dma_semaphore, #tpu.memory_space<semaphore_mem>>
      %dma_start3A_53 = arith.constant 0 : i32
      %dma_start3A_54 = tpu.memref_slice %arg4[%add3A_48, %dma_start3A_53] : memref<9216x128xf32, #tpu.memory_space<hbm>> -> memref<96x128xf32, #tpu.memory_space<hbm>>
      %dma_start3A_55 = arith.constant 0 : i32
      %dma_start3A_56 = tpu.memref_slice %arg4[%add3A_48, %dma_start3A_55] : memref<9216x128xf32, #tpu.memory_space<hbm>> -> memref<96x128xf32, #tpu.memory_space<hbm>>
      tpu.enqueue_dma source(%arg7 : memref<96x128xf32, #tpu.memory_space<vmem>>) target(%dma_start3A_56 : memref<96x128xf32, #tpu.memory_space<hbm>>) target_semaphore(%run_scoped3A : memref<!tpu.dma_semaphore, #tpu.memory_space<semaphore_mem>>)
      %dma_wait3A_57 = arith.constant 0 : i32
      %dma_wait3A_58 = tpu.memref_slice %arg4[%add3A_48, %dma_wait3A_57] : memref<9216x128xf32, #tpu.memory_space<hbm>> -> memref<96x128xf32, #tpu.memory_space<hbm>>
      %dma_wait3A_59 = arith.constant 0 : i32
      %dma_wait3A_60 = tpu.memref_slice %arg4[%add3A_48, %dma_wait3A_59] : memref<9216x128xf32, #tpu.memory_space<hbm>> -> memref<96x128xf32, #tpu.memory_space<hbm>>
      tpu.wait_dma2 semaphore(%run_scoped3A : memref<!tpu.dma_semaphore, #tpu.memory_space<semaphore_mem>>) src(%arg7 : memref<96x128xf32, #tpu.memory_space<vmem>>) dst(%dma_wait3A_60 : memref<96x128xf32, #tpu.memory_space<hbm>>)
      tpu.yield
    }) : () -> ()
    %mul3A_49 = arith.constant 288 : i32
    %mul3A_50 = arith.muli %add3A, %mul3A_49 : i32
    %add3A_51 = arith.constant 192 : i32
    %add3A_52 = arith.addi %mul3A_50, %add3A_51 : i32
    "tpu.region"() ({
      %run_scoped3A = tpu.sem_alloc : memref<!tpu.dma_semaphore, #tpu.memory_space<semaphore_mem>>
      %dma_start3A_53 = arith.constant 0 : i32
      %dma_start3A_54 = tpu.memref_slice %arg4[%add3A_52, %dma_start3A_53] : memref<9216x128xf32, #tpu.memory_space<hbm>> -> memref<96x128xf32, #tpu.memory_space<hbm>>
      %dma_start3A_55 = arith.constant 0 : i32
      %dma_start3A_56 = tpu.memref_slice %arg4[%add3A_52, %dma_start3A_55] : memref<9216x128xf32, #tpu.memory_space<hbm>> -> memref<96x128xf32, #tpu.memory_space<hbm>>
      tpu.enqueue_dma source(%arg8 : memref<96x128xf32, #tpu.memory_space<vmem>>) target(%dma_start3A_56 : memref<96x128xf32, #tpu.memory_space<hbm>>) target_semaphore(%run_scoped3A : memref<!tpu.dma_semaphore, #tpu.memory_space<semaphore_mem>>)
      %dma_wait3A_57 = arith.constant 0 : i32
      %dma_wait3A_58 = tpu.memref_slice %arg4[%add3A_52, %dma_wait3A_57] : memref<9216x128xf32, #tpu.memory_space<hbm>> -> memref<96x128xf32, #tpu.memory_space<hbm>>
      %dma_wait3A_59 = arith.constant 0 : i32
      %dma_wait3A_60 = tpu.memref_slice %arg4[%add3A_52, %dma_wait3A_59] : memref<9216x128xf32, #tpu.memory_space<hbm>> -> memref<96x128xf32, #tpu.memory_space<hbm>>
      tpu.wait_dma2 semaphore(%run_scoped3A : memref<!tpu.dma_semaphore, #tpu.memory_space<semaphore_mem>>) src(%arg8 : memref<96x128xf32, #tpu.memory_space<vmem>>) dst(%dma_wait3A_60 : memref<96x128xf32, #tpu.memory_space<hbm>>)
      tpu.yield
    }) : () -> ()
    return
  }
}

module attributes {stable_mosaic.version = 14 : i64} {
  func.func @_argmin_body1(%arg0: i32, %arg1: memref<512x64xf32, #tpu.memory_space<vmem>>, %arg2: memref<8192x64xf32, #tpu.memory_space<vmem>>, %arg3: memref<512x1xi32, #tpu.memory_space<vmem>>, %arg4: memref<512x1xi32, #tpu.memory_space<vmem>>) attributes {dimension_semantics = [#tpu.dimension_semantics<arbitrary>], iteration_bounds = array<i64: 18>, scalar_prefetch = 0 : i64, scratch_operands = 0 : i64, tpu.core_type = #tpu.core_type<tc>, window_params = [{transform_indices = @transform_0, window_bounds = array<i64: 512, 64>}, {pipeline_mode = #tpu.pipeline_mode<synchronous>, transform_indices = @transform_1, window_bounds = array<i64: 8192, 64>}, {transform_indices = @transform_2, window_bounds = array<i64: 512, 1>}, {transform_indices = @transform_3, window_bounds = array<i64: 512, 1>}]} {
    %get3A = arith.constant 0 : index
    %get3A_0 = arith.constant 0 : index
    %get3A_1 = vector.load %arg1[%get3A, %get3A_0] : memref<512x64xf32, #tpu.memory_space<vmem>>, vector<512x64xf32>
    %broadcast_in_dim3A = arith.constant 0x7F800000 : f32
    %broadcast_in_dim3A_2 = vector.broadcast %broadcast_in_dim3A : f32 to vector<512x1xf32>
    %broadcast_in_dim3A_3 = arith.constant 0 : i32
    %broadcast_in_dim3A_4 = vector.broadcast %broadcast_in_dim3A_3 : i32 to vector<512x1xi32>
    %get3A_5 = arith.constant 0 : index
    %get3A_6 = arith.constant 0 : index
    %get3A_7 = vector.load %arg2[%get3A_5, %get3A_6] : memref<8192x64xf32, #tpu.memory_space<vmem>>, vector<2048x64xf32>
    %mul3A = arith.mulf %get3A_7, %get3A_7 : vector<2048x64xf32>
    %reduce_sum3A = arith.constant dense<0.000000e+00> : vector<2048xf32>
    %reduce_sum3A_8 = vector.multi_reduction <add>, %mul3A, %reduce_sum3A [1] : vector<2048x64xf32> to vector<2048xf32>
    %broadcast_in_dim3A_9 = vector.shape_cast %reduce_sum3A_8 : vector<2048xf32> to vector<2048x1xf32>
    %mul3A_10 = arith.mulf %get3A_1, %get3A_1 : vector<512x64xf32>
    %reduce_sum3A_11 = arith.constant dense<0.000000e+00> : vector<512xf32>
    %reduce_sum3A_12 = vector.multi_reduction <add>, %mul3A_10, %reduce_sum3A_11 [1] : vector<512x64xf32> to vector<512xf32>
    %broadcast_in_dim3A_13 = vector.shape_cast %reduce_sum3A_12 : vector<512xf32> to vector<512x1xf32>
    %convert_element_type3A = arith.truncf %get3A_1 : vector<512x64xf32> to vector<512x64xbf16>
    %convert_element_type3A_14 = arith.truncf %get3A_7 : vector<2048x64xf32> to vector<2048x64xbf16>
    %dot_general3A = arith.constant dense<0.000000e+00> : vector<512x2048xf32>
    %dot_general3A_15 = tpu.matmul %convert_element_type3A, %convert_element_type3A_14, %dot_general3A {dimension_numbers = #tpu.dot_dimension_numbers<[1], [1], [0], [0], [0, 0, 1, 0], [], []>, transpose_lhs_hint = false} : vector<512x64xbf16>, vector<2048x64xbf16>, vector<512x2048xf32> -> vector<512x2048xf32>
    %reshape3A = vector.shape_cast %broadcast_in_dim3A_9 : vector<2048x1xf32> to vector<1x2048xf32>
    %add3A = vector.broadcast %broadcast_in_dim3A_13 : vector<512x1xf32> to vector<512x2048xf32>
    %add3A_16 = vector.broadcast %reshape3A : vector<1x2048xf32> to vector<512x2048xf32>
    %add3A_17 = arith.addf %add3A, %add3A_16 : vector<512x2048xf32>
    %mul3A_18 = arith.constant 2.000000e+00 : f32
    %mul3A_19 = vector.broadcast %mul3A_18 : f32 to vector<512x2048xf32>
    %mul3A_20 = arith.mulf %mul3A_19, %dot_general3A_15 : vector<512x2048xf32>
    %sub3A = arith.subf %add3A_17, %mul3A_20 : vector<512x2048xf32>
    %max3A = arith.constant 0.000000e+00 : f32
    %max3A_21 = vector.broadcast %max3A : f32 to vector<512x2048xf32>
    %max3A_22 = arith.maximumf %sub3A, %max3A_21 : vector<512x2048xf32>
    %sqrt3A = math.sqrt %max3A_22 : vector<512x2048xf32>
    %reduce_min3A = arith.constant dense<0x7F800000> : vector<512xf32>
    %reduce_min3A_23 = vector.multi_reduction <minimumf>, %sqrt3A, %reduce_min3A [1] : vector<512x2048xf32> to vector<512xf32>
    %broadcast_in_dim3A_24 = vector.shape_cast %reduce_min3A_23 : vector<512xf32> to vector<512x1xf32>
    %iota3A = tpu.iota {dimensions = array<i32: 1>} : vector<512x2048xi32>
    %add3A_25 = arith.constant 0 : i32
    %add3A_26 = vector.broadcast %add3A_25 : i32 to vector<512x2048xi32>
    %add3A_27 = arith.addi %iota3A, %add3A_26 : vector<512x2048xi32>
    %eq3A = vector.broadcast %broadcast_in_dim3A_24 : vector<512x1xf32> to vector<512x2048xf32>
    %eq3A_28 = arith.cmpf oeq, %sqrt3A, %eq3A : vector<512x2048xf32>
    %jit3A = arith.constant 1073741824 : i32
    %broadcast_in_dim3A_29 = vector.broadcast %jit3A : i32 to vector<512x2048xi32>
    %select_n3A = arith.select %eq3A_28, %add3A_27, %broadcast_in_dim3A_29 : vector<512x2048xi1>, vector<512x2048xi32>
    %reduce_min3A_30 = arith.constant dense<2147483647> : vector<512xi32>
    %reduce_min3A_31 = vector.multi_reduction <minsi>, %select_n3A, %reduce_min3A_30 [1] : vector<512x2048xi32> to vector<512xi32>
    %broadcast_in_dim3A_32 = vector.shape_cast %reduce_min3A_31 : vector<512xi32> to vector<512x1xi32>
    %lt3A = arith.cmpf olt, %broadcast_in_dim3A_24, %broadcast_in_dim3A_2 : vector<512x1xf32>
    %select_n3A_33 = arith.select %lt3A, %broadcast_in_dim3A_24, %broadcast_in_dim3A_2 : vector<512x1xi1>, vector<512x1xf32>
    %select_n3A_34 = arith.select %lt3A, %broadcast_in_dim3A_32, %broadcast_in_dim3A_4 : vector<512x1xi1>, vector<512x1xi32>
    %get3A_35 = arith.constant 2048 : index
    %get3A_36 = arith.constant 0 : index
    %get3A_37 = vector.load %arg2[%get3A_35, %get3A_36] : memref<8192x64xf32, #tpu.memory_space<vmem>>, vector<2048x64xf32>
    %mul3A_38 = arith.mulf %get3A_37, %get3A_37 : vector<2048x64xf32>
    %reduce_sum3A_39 = arith.constant dense<0.000000e+00> : vector<2048xf32>
    %reduce_sum3A_40 = vector.multi_reduction <add>, %mul3A_38, %reduce_sum3A_39 [1] : vector<2048x64xf32> to vector<2048xf32>
    %broadcast_in_dim3A_41 = vector.shape_cast %reduce_sum3A_40 : vector<2048xf32> to vector<2048x1xf32>
    %mul3A_42 = arith.mulf %get3A_1, %get3A_1 : vector<512x64xf32>
    %reduce_sum3A_43 = arith.constant dense<0.000000e+00> : vector<512xf32>
    %reduce_sum3A_44 = vector.multi_reduction <add>, %mul3A_42, %reduce_sum3A_43 [1] : vector<512x64xf32> to vector<512xf32>
    %broadcast_in_dim3A_45 = vector.shape_cast %reduce_sum3A_44 : vector<512xf32> to vector<512x1xf32>
    %convert_element_type3A_46 = arith.truncf %get3A_1 : vector<512x64xf32> to vector<512x64xbf16>
    %convert_element_type3A_47 = arith.truncf %get3A_37 : vector<2048x64xf32> to vector<2048x64xbf16>
    %dot_general3A_48 = arith.constant dense<0.000000e+00> : vector<512x2048xf32>
    %dot_general3A_49 = tpu.matmul %convert_element_type3A_46, %convert_element_type3A_47, %dot_general3A_48 {dimension_numbers = #tpu.dot_dimension_numbers<[1], [1], [0], [0], [0, 0, 1, 0], [], []>, transpose_lhs_hint = false} : vector<512x64xbf16>, vector<2048x64xbf16>, vector<512x2048xf32> -> vector<512x2048xf32>
    %reshape3A_50 = vector.shape_cast %broadcast_in_dim3A_41 : vector<2048x1xf32> to vector<1x2048xf32>
    %add3A_51 = vector.broadcast %broadcast_in_dim3A_45 : vector<512x1xf32> to vector<512x2048xf32>
    %add3A_52 = vector.broadcast %reshape3A_50 : vector<1x2048xf32> to vector<512x2048xf32>
    %add3A_53 = arith.addf %add3A_51, %add3A_52 : vector<512x2048xf32>
    %mul3A_54 = arith.constant 2.000000e+00 : f32
    %mul3A_55 = vector.broadcast %mul3A_54 : f32 to vector<512x2048xf32>
    %mul3A_56 = arith.mulf %mul3A_55, %dot_general3A_49 : vector<512x2048xf32>
    %sub3A_57 = arith.subf %add3A_53, %mul3A_56 : vector<512x2048xf32>
    %max3A_58 = arith.constant 0.000000e+00 : f32
    %max3A_59 = vector.broadcast %max3A_58 : f32 to vector<512x2048xf32>
    %max3A_60 = arith.maximumf %sub3A_57, %max3A_59 : vector<512x2048xf32>
    %sqrt3A_61 = math.sqrt %max3A_60 : vector<512x2048xf32>
    %reduce_min3A_62 = arith.constant dense<0x7F800000> : vector<512xf32>
    %reduce_min3A_63 = vector.multi_reduction <minimumf>, %sqrt3A_61, %reduce_min3A_62 [1] : vector<512x2048xf32> to vector<512xf32>
    %broadcast_in_dim3A_64 = vector.shape_cast %reduce_min3A_63 : vector<512xf32> to vector<512x1xf32>
    %iota3A_65 = tpu.iota {dimensions = array<i32: 1>} : vector<512x2048xi32>
    %add3A_66 = arith.constant 2048 : i32
    %add3A_67 = vector.broadcast %add3A_66 : i32 to vector<512x2048xi32>
    %add3A_68 = arith.addi %iota3A_65, %add3A_67 : vector<512x2048xi32>
    %eq3A_69 = vector.broadcast %broadcast_in_dim3A_64 : vector<512x1xf32> to vector<512x2048xf32>
    %eq3A_70 = arith.cmpf oeq, %sqrt3A_61, %eq3A_69 : vector<512x2048xf32>
    %jit3A_71 = arith.constant 1073741824 : i32
    %broadcast_in_dim3A_72 = vector.broadcast %jit3A_71 : i32 to vector<512x2048xi32>
    %select_n3A_73 = arith.select %eq3A_70, %add3A_68, %broadcast_in_dim3A_72 : vector<512x2048xi1>, vector<512x2048xi32>
    %reduce_min3A_74 = arith.constant dense<2147483647> : vector<512xi32>
    %reduce_min3A_75 = vector.multi_reduction <minsi>, %select_n3A_73, %reduce_min3A_74 [1] : vector<512x2048xi32> to vector<512xi32>
    %broadcast_in_dim3A_76 = vector.shape_cast %reduce_min3A_75 : vector<512xi32> to vector<512x1xi32>
    %lt3A_77 = arith.cmpf olt, %broadcast_in_dim3A_64, %select_n3A_33 : vector<512x1xf32>
    %select_n3A_78 = arith.select %lt3A_77, %broadcast_in_dim3A_64, %select_n3A_33 : vector<512x1xi1>, vector<512x1xf32>
    %select_n3A_79 = arith.select %lt3A_77, %broadcast_in_dim3A_76, %select_n3A_34 : vector<512x1xi1>, vector<512x1xi32>
    %get3A_80 = arith.constant 4096 : index
    %get3A_81 = arith.constant 0 : index
    %get3A_82 = vector.load %arg2[%get3A_80, %get3A_81] : memref<8192x64xf32, #tpu.memory_space<vmem>>, vector<2048x64xf32>
    %mul3A_83 = arith.mulf %get3A_82, %get3A_82 : vector<2048x64xf32>
    %reduce_sum3A_84 = arith.constant dense<0.000000e+00> : vector<2048xf32>
    %reduce_sum3A_85 = vector.multi_reduction <add>, %mul3A_83, %reduce_sum3A_84 [1] : vector<2048x64xf32> to vector<2048xf32>
    %broadcast_in_dim3A_86 = vector.shape_cast %reduce_sum3A_85 : vector<2048xf32> to vector<2048x1xf32>
    %mul3A_87 = arith.mulf %get3A_1, %get3A_1 : vector<512x64xf32>
    %reduce_sum3A_88 = arith.constant dense<0.000000e+00> : vector<512xf32>
    %reduce_sum3A_89 = vector.multi_reduction <add>, %mul3A_87, %reduce_sum3A_88 [1] : vector<512x64xf32> to vector<512xf32>
    %broadcast_in_dim3A_90 = vector.shape_cast %reduce_sum3A_89 : vector<512xf32> to vector<512x1xf32>
    %convert_element_type3A_91 = arith.truncf %get3A_1 : vector<512x64xf32> to vector<512x64xbf16>
    %convert_element_type3A_92 = arith.truncf %get3A_82 : vector<2048x64xf32> to vector<2048x64xbf16>
    %dot_general3A_93 = arith.constant dense<0.000000e+00> : vector<512x2048xf32>
    %dot_general3A_94 = tpu.matmul %convert_element_type3A_91, %convert_element_type3A_92, %dot_general3A_93 {dimension_numbers = #tpu.dot_dimension_numbers<[1], [1], [0], [0], [0, 0, 1, 0], [], []>, transpose_lhs_hint = false} : vector<512x64xbf16>, vector<2048x64xbf16>, vector<512x2048xf32> -> vector<512x2048xf32>
    %reshape3A_95 = vector.shape_cast %broadcast_in_dim3A_86 : vector<2048x1xf32> to vector<1x2048xf32>
    %add3A_96 = vector.broadcast %broadcast_in_dim3A_90 : vector<512x1xf32> to vector<512x2048xf32>
    %add3A_97 = vector.broadcast %reshape3A_95 : vector<1x2048xf32> to vector<512x2048xf32>
    %add3A_98 = arith.addf %add3A_96, %add3A_97 : vector<512x2048xf32>
    %mul3A_99 = arith.constant 2.000000e+00 : f32
    %mul3A_100 = vector.broadcast %mul3A_99 : f32 to vector<512x2048xf32>
    %mul3A_101 = arith.mulf %mul3A_100, %dot_general3A_94 : vector<512x2048xf32>
    %sub3A_102 = arith.subf %add3A_98, %mul3A_101 : vector<512x2048xf32>
    %max3A_103 = arith.constant 0.000000e+00 : f32
    %max3A_104 = vector.broadcast %max3A_103 : f32 to vector<512x2048xf32>
    %max3A_105 = arith.maximumf %sub3A_102, %max3A_104 : vector<512x2048xf32>
    %sqrt3A_106 = math.sqrt %max3A_105 : vector<512x2048xf32>
    %reduce_min3A_107 = arith.constant dense<0x7F800000> : vector<512xf32>
    %reduce_min3A_108 = vector.multi_reduction <minimumf>, %sqrt3A_106, %reduce_min3A_107 [1] : vector<512x2048xf32> to vector<512xf32>
    %broadcast_in_dim3A_109 = vector.shape_cast %reduce_min3A_108 : vector<512xf32> to vector<512x1xf32>
    %iota3A_110 = tpu.iota {dimensions = array<i32: 1>} : vector<512x2048xi32>
    %add3A_111 = arith.constant 4096 : i32
    %add3A_112 = vector.broadcast %add3A_111 : i32 to vector<512x2048xi32>
    %add3A_113 = arith.addi %iota3A_110, %add3A_112 : vector<512x2048xi32>
    %eq3A_114 = vector.broadcast %broadcast_in_dim3A_109 : vector<512x1xf32> to vector<512x2048xf32>
    %eq3A_115 = arith.cmpf oeq, %sqrt3A_106, %eq3A_114 : vector<512x2048xf32>
    %jit3A_116 = arith.constant 1073741824 : i32
    %broadcast_in_dim3A_117 = vector.broadcast %jit3A_116 : i32 to vector<512x2048xi32>
    %select_n3A_118 = arith.select %eq3A_115, %add3A_113, %broadcast_in_dim3A_117 : vector<512x2048xi1>, vector<512x2048xi32>
    %reduce_min3A_119 = arith.constant dense<2147483647> : vector<512xi32>
    %reduce_min3A_120 = vector.multi_reduction <minsi>, %select_n3A_118, %reduce_min3A_119 [1] : vector<512x2048xi32> to vector<512xi32>
    %broadcast_in_dim3A_121 = vector.shape_cast %reduce_min3A_120 : vector<512xi32> to vector<512x1xi32>
    %lt3A_122 = arith.cmpf olt, %broadcast_in_dim3A_109, %select_n3A_78 : vector<512x1xf32>
    %select_n3A_123 = arith.select %lt3A_122, %broadcast_in_dim3A_109, %select_n3A_78 : vector<512x1xi1>, vector<512x1xf32>
    %select_n3A_124 = arith.select %lt3A_122, %broadcast_in_dim3A_121, %select_n3A_79 : vector<512x1xi1>, vector<512x1xi32>
    %get3A_125 = arith.constant 6144 : index
    %get3A_126 = arith.constant 0 : index
    %get3A_127 = vector.load %arg2[%get3A_125, %get3A_126] : memref<8192x64xf32, #tpu.memory_space<vmem>>, vector<2048x64xf32>
    %mul3A_128 = arith.mulf %get3A_127, %get3A_127 : vector<2048x64xf32>
    %reduce_sum3A_129 = arith.constant dense<0.000000e+00> : vector<2048xf32>
    %reduce_sum3A_130 = vector.multi_reduction <add>, %mul3A_128, %reduce_sum3A_129 [1] : vector<2048x64xf32> to vector<2048xf32>
    %broadcast_in_dim3A_131 = vector.shape_cast %reduce_sum3A_130 : vector<2048xf32> to vector<2048x1xf32>
    %mul3A_132 = arith.mulf %get3A_1, %get3A_1 : vector<512x64xf32>
    %reduce_sum3A_133 = arith.constant dense<0.000000e+00> : vector<512xf32>
    %reduce_sum3A_134 = vector.multi_reduction <add>, %mul3A_132, %reduce_sum3A_133 [1] : vector<512x64xf32> to vector<512xf32>
    %broadcast_in_dim3A_135 = vector.shape_cast %reduce_sum3A_134 : vector<512xf32> to vector<512x1xf32>
    %convert_element_type3A_136 = arith.truncf %get3A_1 : vector<512x64xf32> to vector<512x64xbf16>
    %convert_element_type3A_137 = arith.truncf %get3A_127 : vector<2048x64xf32> to vector<2048x64xbf16>
    %dot_general3A_138 = arith.constant dense<0.000000e+00> : vector<512x2048xf32>
    %dot_general3A_139 = tpu.matmul %convert_element_type3A_136, %convert_element_type3A_137, %dot_general3A_138 {dimension_numbers = #tpu.dot_dimension_numbers<[1], [1], [0], [0], [0, 0, 1, 0], [], []>, transpose_lhs_hint = false} : vector<512x64xbf16>, vector<2048x64xbf16>, vector<512x2048xf32> -> vector<512x2048xf32>
    %reshape3A_140 = vector.shape_cast %broadcast_in_dim3A_131 : vector<2048x1xf32> to vector<1x2048xf32>
    %add3A_141 = vector.broadcast %broadcast_in_dim3A_135 : vector<512x1xf32> to vector<512x2048xf32>
    %add3A_142 = vector.broadcast %reshape3A_140 : vector<1x2048xf32> to vector<512x2048xf32>
    %add3A_143 = arith.addf %add3A_141, %add3A_142 : vector<512x2048xf32>
    %mul3A_144 = arith.constant 2.000000e+00 : f32
    %mul3A_145 = vector.broadcast %mul3A_144 : f32 to vector<512x2048xf32>
    %mul3A_146 = arith.mulf %mul3A_145, %dot_general3A_139 : vector<512x2048xf32>
    %sub3A_147 = arith.subf %add3A_143, %mul3A_146 : vector<512x2048xf32>
    %max3A_148 = arith.constant 0.000000e+00 : f32
    %max3A_149 = vector.broadcast %max3A_148 : f32 to vector<512x2048xf32>
    %max3A_150 = arith.maximumf %sub3A_147, %max3A_149 : vector<512x2048xf32>
    %sqrt3A_151 = math.sqrt %max3A_150 : vector<512x2048xf32>
    %reduce_min3A_152 = arith.constant dense<0x7F800000> : vector<512xf32>
    %reduce_min3A_153 = vector.multi_reduction <minimumf>, %sqrt3A_151, %reduce_min3A_152 [1] : vector<512x2048xf32> to vector<512xf32>
    %broadcast_in_dim3A_154 = vector.shape_cast %reduce_min3A_153 : vector<512xf32> to vector<512x1xf32>
    %iota3A_155 = tpu.iota {dimensions = array<i32: 1>} : vector<512x2048xi32>
    %add3A_156 = arith.constant 6144 : i32
    %add3A_157 = vector.broadcast %add3A_156 : i32 to vector<512x2048xi32>
    %add3A_158 = arith.addi %iota3A_155, %add3A_157 : vector<512x2048xi32>
    %eq3A_159 = vector.broadcast %broadcast_in_dim3A_154 : vector<512x1xf32> to vector<512x2048xf32>
    %eq3A_160 = arith.cmpf oeq, %sqrt3A_151, %eq3A_159 : vector<512x2048xf32>
    %jit3A_161 = arith.constant 1073741824 : i32
    %broadcast_in_dim3A_162 = vector.broadcast %jit3A_161 : i32 to vector<512x2048xi32>
    %select_n3A_163 = arith.select %eq3A_160, %add3A_158, %broadcast_in_dim3A_162 : vector<512x2048xi1>, vector<512x2048xi32>
    %reduce_min3A_164 = arith.constant dense<2147483647> : vector<512xi32>
    %reduce_min3A_165 = vector.multi_reduction <minsi>, %select_n3A_163, %reduce_min3A_164 [1] : vector<512x2048xi32> to vector<512xi32>
    %broadcast_in_dim3A_166 = vector.shape_cast %reduce_min3A_165 : vector<512xi32> to vector<512x1xi32>
    %lt3A_167 = arith.cmpf olt, %broadcast_in_dim3A_154, %select_n3A_123 : vector<512x1xf32>
    %select_n3A_168 = arith.select %lt3A_167, %broadcast_in_dim3A_166, %select_n3A_124 : vector<512x1xi1>, vector<512x1xi32>
    %swap3A = arith.constant 0 : index
    %swap3A_169 = arith.constant 0 : index
    %swap3A_170 = vector.load %arg3[%swap3A, %swap3A_169] : memref<512x1xi32, #tpu.memory_space<vmem>>, vector<512x1xi32>
    tpu.vector_store %arg3[%swap3A, %swap3A_169], %select_n3A_168 {strides = array<i32>} : memref<512x1xi32, #tpu.memory_space<vmem>>, vector<512x1xi32>,
    %shift_right_arithmetic3A = arith.constant 1 : i32
    %shift_right_arithmetic3A_171 = vector.broadcast %shift_right_arithmetic3A : i32 to vector<512x1xi32>
    %shift_right_arithmetic3A_172 = arith.shrsi %select_n3A_168, %shift_right_arithmetic3A_171 : vector<512x1xi32>
    %swap3A_173 = arith.constant 0 : index
    %swap3A_174 = arith.constant 0 : index
    %swap3A_175 = vector.load %arg4[%swap3A_173, %swap3A_174] : memref<512x1xi32, #tpu.memory_space<vmem>>, vector<512x1xi32>
    tpu.vector_store %arg4[%swap3A_173, %swap3A_174], %shift_right_arithmetic3A_172 {strides = array<i32>} : memref<512x1xi32, #tpu.memory_space<vmem>>, vector<512x1xi32>,
    return
  }
  func.func @transform_0(%arg0: i32) -> (i32, i32) {
    %c0_i32 = arith.constant 0 : i32
    %c0_i32_0 = arith.constant 0 : i32
    return %arg0, %c0_i32 : i32, i32
  }
  func.func @transform_1(%arg0: i32) -> (i32, i32) {
    %c0_i32 = arith.constant 0 : i32
    %c0_i32_0 = arith.constant 0 : i32
    %c0_i32_1 = arith.constant 0 : i32
    return %c0_i32, %c0_i32_0 : i32, i32
  }
  func.func @transform_2(%arg0: i32) -> (i32, i32) {
    %c0_i32 = arith.constant 0 : i32
    %c0_i32_0 = arith.constant 0 : i32
    return %arg0, %c0_i32 : i32, i32
  }
  func.func @transform_3(%arg0: i32) -> (i32, i32) {
    %c0_i32 = arith.constant 0 : i32
    %c0_i32_0 = arith.constant 0 : i32
    return %arg0, %c0_i32 : i32, i32
  }
}

module attributes {stable_mosaic.version = 14 : i64} {
  func.func @_argmin_body2(%arg0: i32, %arg1: memref<512x64xf32, #tpu.memory_space<vmem>>, %arg2: memref<512x128xf32, #tpu.memory_space<vmem>>, %arg3: memref<512x1xi32, #tpu.memory_space<vmem>>, %arg4: memref<8192x64xf32, #tpu.memory_space<vmem>>, %arg5: memref<512x1xi32, #tpu.memory_space<vmem>>, %arg6: memref<512x1xi32, #tpu.memory_space<vmem>>) attributes {dimension_semantics = [#tpu.dimension_semantics<arbitrary>], iteration_bounds = array<i64: 18>, scalar_prefetch = 0 : i64, scratch_operands = 0 : i64, tpu.core_type = #tpu.core_type<tc>, window_params = [{transform_indices = @transform_0, window_bounds = array<i64: 512, 64>}, {transform_indices = @transform_1, window_bounds = array<i64: 512, 128>}, {transform_indices = @transform_2, window_bounds = array<i64: 512, 1>}, {pipeline_mode = #tpu.pipeline_mode<synchronous>, transform_indices = @transform_3, window_bounds = array<i64: 8192, 64>}, {transform_indices = @transform_4, window_bounds = array<i64: 512, 1>}, {transform_indices = @transform_5, window_bounds = array<i64: 512, 1>}]} {
    %get3A = arith.constant 0 : index
    %get3A_0 = arith.constant 0 : index
    %get3A_1 = vector.load %arg2[%get3A, %get3A_0] : memref<512x128xf32, #tpu.memory_space<vmem>>, vector<512x128xf32>
    %get3A_2 = arith.constant 0 : index
    %get3A_3 = arith.constant 0 : index
    %get3A_4 = vector.load %arg3[%get3A_2, %get3A_3] : memref<512x1xi32, #tpu.memory_space<vmem>>, vector<512x1xi32>
    %and3A = arith.constant 1 : i32
    %and3A_5 = vector.broadcast %and3A : i32 to vector<512x1xi32>
    %and3A_6 = arith.andi %get3A_4, %and3A_5 : vector<512x1xi32>
    %eq3A = arith.constant 0 : i32
    %eq3A_7 = vector.broadcast %eq3A : i32 to vector<512x1xi32>
    %eq3A_8 = arith.cmpi eq, %and3A_6, %eq3A_7 : vector<512x1xi32>
    %slice3A = vector.extract_strided_slice %get3A_1 {offsets = [0, 0], sizes = [512, 64], strides = [1, 1]} : vector<512x128xf32> to vector<512x64xf32>
    %slice3A_9 = vector.extract_strided_slice %get3A_1 {offsets = [0, 64], sizes = [512, 64], strides = [1, 1]} : vector<512x128xf32> to vector<512x64xf32>
    %broadcast_in_dim3A = vector.shape_cast %eq3A_8 : vector<512x1xi1> to vector<512x1xi1>
    %broadcast_in_dim3A_10 = vector.broadcast %broadcast_in_dim3A : vector<512x1xi1> to vector<512x64xi1>
    %select_n3A = arith.select %broadcast_in_dim3A_10, %slice3A, %slice3A_9 : vector<512x64xi1>, vector<512x64xf32>
    %get3A_11 = arith.constant 0 : index
    %get3A_12 = arith.constant 0 : index
    %get3A_13 = vector.load %arg1[%get3A_11, %get3A_12] : memref<512x64xf32, #tpu.memory_space<vmem>>, vector<512x64xf32>
    %sub3A = arith.subf %get3A_13, %select_n3A : vector<512x64xf32>
    %broadcast_in_dim3A_14 = arith.constant 0x7F800000 : f32
    %broadcast_in_dim3A_15 = vector.broadcast %broadcast_in_dim3A_14 : f32 to vector<512x1xf32>
    %broadcast_in_dim3A_16 = arith.constant 0 : i32
    %broadcast_in_dim3A_17 = vector.broadcast %broadcast_in_dim3A_16 : i32 to vector<512x1xi32>
    %get3A_18 = arith.constant 0 : index
    %get3A_19 = arith.constant 0 : index
    %get3A_20 = vector.load %arg4[%get3A_18, %get3A_19] : memref<8192x64xf32, #tpu.memory_space<vmem>>, vector<2048x64xf32>
    %mul3A = arith.mulf %get3A_20, %get3A_20 : vector<2048x64xf32>
    %reduce_sum3A = arith.constant dense<0.000000e+00> : vector<2048xf32>
    %reduce_sum3A_21 = vector.multi_reduction <add>, %mul3A, %reduce_sum3A [1] : vector<2048x64xf32> to vector<2048xf32>
    %broadcast_in_dim3A_22 = vector.shape_cast %reduce_sum3A_21 : vector<2048xf32> to vector<2048x1xf32>
    %mul3A_23 = arith.mulf %sub3A, %sub3A : vector<512x64xf32>
    %reduce_sum3A_24 = arith.constant dense<0.000000e+00> : vector<512xf32>
    %reduce_sum3A_25 = vector.multi_reduction <add>, %mul3A_23, %reduce_sum3A_24 [1] : vector<512x64xf32> to vector<512xf32>
    %broadcast_in_dim3A_26 = vector.shape_cast %reduce_sum3A_25 : vector<512xf32> to vector<512x1xf32>
    %convert_element_type3A = arith.truncf %sub3A : vector<512x64xf32> to vector<512x64xbf16>
    %convert_element_type3A_27 = arith.truncf %get3A_20 : vector<2048x64xf32> to vector<2048x64xbf16>
    %dot_general3A = arith.constant dense<0.000000e+00> : vector<512x2048xf32>
    %dot_general3A_28 = tpu.matmul %convert_element_type3A, %convert_element_type3A_27, %dot_general3A {dimension_numbers = #tpu.dot_dimension_numbers<[1], [1], [0], [0], [0, 0, 1, 0], [], []>, transpose_lhs_hint = false} : vector<512x64xbf16>, vector<2048x64xbf16>, vector<512x2048xf32> -> vector<512x2048xf32>
    %reshape3A = vector.shape_cast %broadcast_in_dim3A_22 : vector<2048x1xf32> to vector<1x2048xf32>
    %add3A = vector.broadcast %broadcast_in_dim3A_26 : vector<512x1xf32> to vector<512x2048xf32>
    %add3A_29 = vector.broadcast %reshape3A : vector<1x2048xf32> to vector<512x2048xf32>
    %add3A_30 = arith.addf %add3A, %add3A_29 : vector<512x2048xf32>
    %mul3A_31 = arith.constant 2.000000e+00 : f32
    %mul3A_32 = vector.broadcast %mul3A_31 : f32 to vector<512x2048xf32>
    %mul3A_33 = arith.mulf %mul3A_32, %dot_general3A_28 : vector<512x2048xf32>
    %sub3A_34 = arith.subf %add3A_30, %mul3A_33 : vector<512x2048xf32>
    %max3A = arith.constant 0.000000e+00 : f32
    %max3A_35 = vector.broadcast %max3A : f32 to vector<512x2048xf32>
    %max3A_36 = arith.maximumf %sub3A_34, %max3A_35 : vector<512x2048xf32>
    %sqrt3A = math.sqrt %max3A_36 : vector<512x2048xf32>
    %reduce_min3A = arith.constant dense<0x7F800000> : vector<512xf32>
    %reduce_min3A_37 = vector.multi_reduction <minimumf>, %sqrt3A, %reduce_min3A [1] : vector<512x2048xf32> to vector<512xf32>
    %broadcast_in_dim3A_38 = vector.shape_cast %reduce_min3A_37 : vector<512xf32> to vector<512x1xf32>
    %iota3A = tpu.iota {dimensions = array<i32: 1>} : vector<512x2048xi32>
    %add3A_39 = arith.constant 0 : i32
    %add3A_40 = vector.broadcast %add3A_39 : i32 to vector<512x2048xi32>
    %add3A_41 = arith.addi %iota3A, %add3A_40 : vector<512x2048xi32>
    %eq3A_42 = vector.broadcast %broadcast_in_dim3A_38 : vector<512x1xf32> to vector<512x2048xf32>
    %eq3A_43 = arith.cmpf oeq, %sqrt3A, %eq3A_42 : vector<512x2048xf32>
    %jit3A = arith.constant 1073741824 : i32
    %broadcast_in_dim3A_44 = vector.broadcast %jit3A : i32 to vector<512x2048xi32>
    %select_n3A_45 = arith.select %eq3A_43, %add3A_41, %broadcast_in_dim3A_44 : vector<512x2048xi1>, vector<512x2048xi32>
    %reduce_min3A_46 = arith.constant dense<2147483647> : vector<512xi32>
    %reduce_min3A_47 = vector.multi_reduction <minsi>, %select_n3A_45, %reduce_min3A_46 [1] : vector<512x2048xi32> to vector<512xi32>
    %broadcast_in_dim3A_48 = vector.shape_cast %reduce_min3A_47 : vector<512xi32> to vector<512x1xi32>
    %lt3A = arith.cmpf olt, %broadcast_in_dim3A_38, %broadcast_in_dim3A_15 : vector<512x1xf32>
    %select_n3A_49 = arith.select %lt3A, %broadcast_in_dim3A_38, %broadcast_in_dim3A_15 : vector<512x1xi1>, vector<512x1xf32>
    %select_n3A_50 = arith.select %lt3A, %broadcast_in_dim3A_48, %broadcast_in_dim3A_17 : vector<512x1xi1>, vector<512x1xi32>
    %get3A_51 = arith.constant 2048 : index
    %get3A_52 = arith.constant 0 : index
    %get3A_53 = vector.load %arg4[%get3A_51, %get3A_52] : memref<8192x64xf32, #tpu.memory_space<vmem>>, vector<2048x64xf32>
    %mul3A_54 = arith.mulf %get3A_53, %get3A_53 : vector<2048x64xf32>
    %reduce_sum3A_55 = arith.constant dense<0.000000e+00> : vector<2048xf32>
    %reduce_sum3A_56 = vector.multi_reduction <add>, %mul3A_54, %reduce_sum3A_55 [1] : vector<2048x64xf32> to vector<2048xf32>
    %broadcast_in_dim3A_57 = vector.shape_cast %reduce_sum3A_56 : vector<2048xf32> to vector<2048x1xf32>
    %mul3A_58 = arith.mulf %sub3A, %sub3A : vector<512x64xf32>
    %reduce_sum3A_59 = arith.constant dense<0.000000e+00> : vector<512xf32>
    %reduce_sum3A_60 = vector.multi_reduction <add>, %mul3A_58, %reduce_sum3A_59 [1] : vector<512x64xf32> to vector<512xf32>
    %broadcast_in_dim3A_61 = vector.shape_cast %reduce_sum3A_60 : vector<512xf32> to vector<512x1xf32>
    %convert_element_type3A_62 = arith.truncf %sub3A : vector<512x64xf32> to vector<512x64xbf16>
    %convert_element_type3A_63 = arith.truncf %get3A_53 : vector<2048x64xf32> to vector<2048x64xbf16>
    %dot_general3A_64 = arith.constant dense<0.000000e+00> : vector<512x2048xf32>
    %dot_general3A_65 = tpu.matmul %convert_element_type3A_62, %convert_element_type3A_63, %dot_general3A_64 {dimension_numbers = #tpu.dot_dimension_numbers<[1], [1], [0], [0], [0, 0, 1, 0], [], []>, transpose_lhs_hint = false} : vector<512x64xbf16>, vector<2048x64xbf16>, vector<512x2048xf32> -> vector<512x2048xf32>
    %reshape3A_66 = vector.shape_cast %broadcast_in_dim3A_57 : vector<2048x1xf32> to vector<1x2048xf32>
    %add3A_67 = vector.broadcast %broadcast_in_dim3A_61 : vector<512x1xf32> to vector<512x2048xf32>
    %add3A_68 = vector.broadcast %reshape3A_66 : vector<1x2048xf32> to vector<512x2048xf32>
    %add3A_69 = arith.addf %add3A_67, %add3A_68 : vector<512x2048xf32>
    %mul3A_70 = arith.constant 2.000000e+00 : f32
    %mul3A_71 = vector.broadcast %mul3A_70 : f32 to vector<512x2048xf32>
    %mul3A_72 = arith.mulf %mul3A_71, %dot_general3A_65 : vector<512x2048xf32>
    %sub3A_73 = arith.subf %add3A_69, %mul3A_72 : vector<512x2048xf32>
    %max3A_74 = arith.constant 0.000000e+00 : f32
    %max3A_75 = vector.broadcast %max3A_74 : f32 to vector<512x2048xf32>
    %max3A_76 = arith.maximumf %sub3A_73, %max3A_75 : vector<512x2048xf32>
    %sqrt3A_77 = math.sqrt %max3A_76 : vector<512x2048xf32>
    %reduce_min3A_78 = arith.constant dense<0x7F800000> : vector<512xf32>
    %reduce_min3A_79 = vector.multi_reduction <minimumf>, %sqrt3A_77, %reduce_min3A_78 [1] : vector<512x2048xf32> to vector<512xf32>
    %broadcast_in_dim3A_80 = vector.shape_cast %reduce_min3A_79 : vector<512xf32> to vector<512x1xf32>
    %iota3A_81 = tpu.iota {dimensions = array<i32: 1>} : vector<512x2048xi32>
    %add3A_82 = arith.constant 2048 : i32
    %add3A_83 = vector.broadcast %add3A_82 : i32 to vector<512x2048xi32>
    %add3A_84 = arith.addi %iota3A_81, %add3A_83 : vector<512x2048xi32>
    %eq3A_85 = vector.broadcast %broadcast_in_dim3A_80 : vector<512x1xf32> to vector<512x2048xf32>
    %eq3A_86 = arith.cmpf oeq, %sqrt3A_77, %eq3A_85 : vector<512x2048xf32>
    %jit3A_87 = arith.constant 1073741824 : i32
    %broadcast_in_dim3A_88 = vector.broadcast %jit3A_87 : i32 to vector<512x2048xi32>
    %select_n3A_89 = arith.select %eq3A_86, %add3A_84, %broadcast_in_dim3A_88 : vector<512x2048xi1>, vector<512x2048xi32>
    %reduce_min3A_90 = arith.constant dense<2147483647> : vector<512xi32>
    %reduce_min3A_91 = vector.multi_reduction <minsi>, %select_n3A_89, %reduce_min3A_90 [1] : vector<512x2048xi32> to vector<512xi32>
    %broadcast_in_dim3A_92 = vector.shape_cast %reduce_min3A_91 : vector<512xi32> to vector<512x1xi32>
    %lt3A_93 = arith.cmpf olt, %broadcast_in_dim3A_80, %select_n3A_49 : vector<512x1xf32>
    %select_n3A_94 = arith.select %lt3A_93, %broadcast_in_dim3A_80, %select_n3A_49 : vector<512x1xi1>, vector<512x1xf32>
    %select_n3A_95 = arith.select %lt3A_93, %broadcast_in_dim3A_92, %select_n3A_50 : vector<512x1xi1>, vector<512x1xi32>
    %get3A_96 = arith.constant 4096 : index
    %get3A_97 = arith.constant 0 : index
    %get3A_98 = vector.load %arg4[%get3A_96, %get3A_97] : memref<8192x64xf32, #tpu.memory_space<vmem>>, vector<2048x64xf32>
    %mul3A_99 = arith.mulf %get3A_98, %get3A_98 : vector<2048x64xf32>
    %reduce_sum3A_100 = arith.constant dense<0.000000e+00> : vector<2048xf32>
    %reduce_sum3A_101 = vector.multi_reduction <add>, %mul3A_99, %reduce_sum3A_100 [1] : vector<2048x64xf32> to vector<2048xf32>
    %broadcast_in_dim3A_102 = vector.shape_cast %reduce_sum3A_101 : vector<2048xf32> to vector<2048x1xf32>
    %mul3A_103 = arith.mulf %sub3A, %sub3A : vector<512x64xf32>
    %reduce_sum3A_104 = arith.constant dense<0.000000e+00> : vector<512xf32>
    %reduce_sum3A_105 = vector.multi_reduction <add>, %mul3A_103, %reduce_sum3A_104 [1] : vector<512x64xf32> to vector<512xf32>
    %broadcast_in_dim3A_106 = vector.shape_cast %reduce_sum3A_105 : vector<512xf32> to vector<512x1xf32>
    %convert_element_type3A_107 = arith.truncf %sub3A : vector<512x64xf32> to vector<512x64xbf16>
    %convert_element_type3A_108 = arith.truncf %get3A_98 : vector<2048x64xf32> to vector<2048x64xbf16>
    %dot_general3A_109 = arith.constant dense<0.000000e+00> : vector<512x2048xf32>
    %dot_general3A_110 = tpu.matmul %convert_element_type3A_107, %convert_element_type3A_108, %dot_general3A_109 {dimension_numbers = #tpu.dot_dimension_numbers<[1], [1], [0], [0], [0, 0, 1, 0], [], []>, transpose_lhs_hint = false} : vector<512x64xbf16>, vector<2048x64xbf16>, vector<512x2048xf32> -> vector<512x2048xf32>
    %reshape3A_111 = vector.shape_cast %broadcast_in_dim3A_102 : vector<2048x1xf32> to vector<1x2048xf32>
    %add3A_112 = vector.broadcast %broadcast_in_dim3A_106 : vector<512x1xf32> to vector<512x2048xf32>
    %add3A_113 = vector.broadcast %reshape3A_111 : vector<1x2048xf32> to vector<512x2048xf32>
    %add3A_114 = arith.addf %add3A_112, %add3A_113 : vector<512x2048xf32>
    %mul3A_115 = arith.constant 2.000000e+00 : f32
    %mul3A_116 = vector.broadcast %mul3A_115 : f32 to vector<512x2048xf32>
    %mul3A_117 = arith.mulf %mul3A_116, %dot_general3A_110 : vector<512x2048xf32>
    %sub3A_118 = arith.subf %add3A_114, %mul3A_117 : vector<512x2048xf32>
    %max3A_119 = arith.constant 0.000000e+00 : f32
    %max3A_120 = vector.broadcast %max3A_119 : f32 to vector<512x2048xf32>
    %max3A_121 = arith.maximumf %sub3A_118, %max3A_120 : vector<512x2048xf32>
    %sqrt3A_122 = math.sqrt %max3A_121 : vector<512x2048xf32>
    %reduce_min3A_123 = arith.constant dense<0x7F800000> : vector<512xf32>
    %reduce_min3A_124 = vector.multi_reduction <minimumf>, %sqrt3A_122, %reduce_min3A_123 [1] : vector<512x2048xf32> to vector<512xf32>
    %broadcast_in_dim3A_125 = vector.shape_cast %reduce_min3A_124 : vector<512xf32> to vector<512x1xf32>
    %iota3A_126 = tpu.iota {dimensions = array<i32: 1>} : vector<512x2048xi32>
    %add3A_127 = arith.constant 4096 : i32
    %add3A_128 = vector.broadcast %add3A_127 : i32 to vector<512x2048xi32>
    %add3A_129 = arith.addi %iota3A_126, %add3A_128 : vector<512x2048xi32>
    %eq3A_130 = vector.broadcast %broadcast_in_dim3A_125 : vector<512x1xf32> to vector<512x2048xf32>
    %eq3A_131 = arith.cmpf oeq, %sqrt3A_122, %eq3A_130 : vector<512x2048xf32>
    %jit3A_132 = arith.constant 1073741824 : i32
    %broadcast_in_dim3A_133 = vector.broadcast %jit3A_132 : i32 to vector<512x2048xi32>
    %select_n3A_134 = arith.select %eq3A_131, %add3A_129, %broadcast_in_dim3A_133 : vector<512x2048xi1>, vector<512x2048xi32>
    %reduce_min3A_135 = arith.constant dense<2147483647> : vector<512xi32>
    %reduce_min3A_136 = vector.multi_reduction <minsi>, %select_n3A_134, %reduce_min3A_135 [1] : vector<512x2048xi32> to vector<512xi32>
    %broadcast_in_dim3A_137 = vector.shape_cast %reduce_min3A_136 : vector<512xi32> to vector<512x1xi32>
    %lt3A_138 = arith.cmpf olt, %broadcast_in_dim3A_125, %select_n3A_94 : vector<512x1xf32>
    %select_n3A_139 = arith.select %lt3A_138, %broadcast_in_dim3A_125, %select_n3A_94 : vector<512x1xi1>, vector<512x1xf32>
    %select_n3A_140 = arith.select %lt3A_138, %broadcast_in_dim3A_137, %select_n3A_95 : vector<512x1xi1>, vector<512x1xi32>
    %get3A_141 = arith.constant 6144 : index
    %get3A_142 = arith.constant 0 : index
    %get3A_143 = vector.load %arg4[%get3A_141, %get3A_142] : memref<8192x64xf32, #tpu.memory_space<vmem>>, vector<2048x64xf32>
    %mul3A_144 = arith.mulf %get3A_143, %get3A_143 : vector<2048x64xf32>
    %reduce_sum3A_145 = arith.constant dense<0.000000e+00> : vector<2048xf32>
    %reduce_sum3A_146 = vector.multi_reduction <add>, %mul3A_144, %reduce_sum3A_145 [1] : vector<2048x64xf32> to vector<2048xf32>
    %broadcast_in_dim3A_147 = vector.shape_cast %reduce_sum3A_146 : vector<2048xf32> to vector<2048x1xf32>
    %mul3A_148 = arith.mulf %sub3A, %sub3A : vector<512x64xf32>
    %reduce_sum3A_149 = arith.constant dense<0.000000e+00> : vector<512xf32>
    %reduce_sum3A_150 = vector.multi_reduction <add>, %mul3A_148, %reduce_sum3A_149 [1] : vector<512x64xf32> to vector<512xf32>
    %broadcast_in_dim3A_151 = vector.shape_cast %reduce_sum3A_150 : vector<512xf32> to vector<512x1xf32>
    %convert_element_type3A_152 = arith.truncf %sub3A : vector<512x64xf32> to vector<512x64xbf16>
    %convert_element_type3A_153 = arith.truncf %get3A_143 : vector<2048x64xf32> to vector<2048x64xbf16>
    %dot_general3A_154 = arith.constant dense<0.000000e+00> : vector<512x2048xf32>
    %dot_general3A_155 = tpu.matmul %convert_element_type3A_152, %convert_element_type3A_153, %dot_general3A_154 {dimension_numbers = #tpu.dot_dimension_numbers<[1], [1], [0], [0], [0, 0, 1, 0], [], []>, transpose_lhs_hint = false} : vector<512x64xbf16>, vector<2048x64xbf16>, vector<512x2048xf32> -> vector<512x2048xf32>
    %reshape3A_156 = vector.shape_cast %broadcast_in_dim3A_147 : vector<2048x1xf32> to vector<1x2048xf32>
    %add3A_157 = vector.broadcast %broadcast_in_dim3A_151 : vector<512x1xf32> to vector<512x2048xf32>
    %add3A_158 = vector.broadcast %reshape3A_156 : vector<1x2048xf32> to vector<512x2048xf32>
    %add3A_159 = arith.addf %add3A_157, %add3A_158 : vector<512x2048xf32>
    %mul3A_160 = arith.constant 2.000000e+00 : f32
    %mul3A_161 = vector.broadcast %mul3A_160 : f32 to vector<512x2048xf32>
    %mul3A_162 = arith.mulf %mul3A_161, %dot_general3A_155 : vector<512x2048xf32>
    %sub3A_163 = arith.subf %add3A_159, %mul3A_162 : vector<512x2048xf32>
    %max3A_164 = arith.constant 0.000000e+00 : f32
    %max3A_165 = vector.broadcast %max3A_164 : f32 to vector<512x2048xf32>
    %max3A_166 = arith.maximumf %sub3A_163, %max3A_165 : vector<512x2048xf32>
    %sqrt3A_167 = math.sqrt %max3A_166 : vector<512x2048xf32>
    %reduce_min3A_168 = arith.constant dense<0x7F800000> : vector<512xf32>
    %reduce_min3A_169 = vector.multi_reduction <minimumf>, %sqrt3A_167, %reduce_min3A_168 [1] : vector<512x2048xf32> to vector<512xf32>
    %broadcast_in_dim3A_170 = vector.shape_cast %reduce_min3A_169 : vector<512xf32> to vector<512x1xf32>
    %iota3A_171 = tpu.iota {dimensions = array<i32: 1>} : vector<512x2048xi32>
    %add3A_172 = arith.constant 6144 : i32
    %add3A_173 = vector.broadcast %add3A_172 : i32 to vector<512x2048xi32>
    %add3A_174 = arith.addi %iota3A_171, %add3A_173 : vector<512x2048xi32>
    %eq3A_175 = vector.broadcast %broadcast_in_dim3A_170 : vector<512x1xf32> to vector<512x2048xf32>
    %eq3A_176 = arith.cmpf oeq, %sqrt3A_167, %eq3A_175 : vector<512x2048xf32>
    %jit3A_177 = arith.constant 1073741824 : i32
    %broadcast_in_dim3A_178 = vector.broadcast %jit3A_177 : i32 to vector<512x2048xi32>
    %select_n3A_179 = arith.select %eq3A_176, %add3A_174, %broadcast_in_dim3A_178 : vector<512x2048xi1>, vector<512x2048xi32>
    %reduce_min3A_180 = arith.constant dense<2147483647> : vector<512xi32>
    %reduce_min3A_181 = vector.multi_reduction <minsi>, %select_n3A_179, %reduce_min3A_180 [1] : vector<512x2048xi32> to vector<512xi32>
    %broadcast_in_dim3A_182 = vector.shape_cast %reduce_min3A_181 : vector<512xi32> to vector<512x1xi32>
    %lt3A_183 = arith.cmpf olt, %broadcast_in_dim3A_170, %select_n3A_139 : vector<512x1xf32>
    %select_n3A_184 = arith.select %lt3A_183, %broadcast_in_dim3A_182, %select_n3A_140 : vector<512x1xi1>, vector<512x1xi32>
    %swap3A = arith.constant 0 : index
    %swap3A_185 = arith.constant 0 : index
    %swap3A_186 = vector.load %arg5[%swap3A, %swap3A_185] : memref<512x1xi32, #tpu.memory_space<vmem>>, vector<512x1xi32>
    tpu.vector_store %arg5[%swap3A, %swap3A_185], %select_n3A_184 {strides = array<i32>} : memref<512x1xi32, #tpu.memory_space<vmem>>, vector<512x1xi32>,
    %shift_right_arithmetic3A = arith.constant 1 : i32
    %shift_right_arithmetic3A_187 = vector.broadcast %shift_right_arithmetic3A : i32 to vector<512x1xi32>
    %shift_right_arithmetic3A_188 = arith.shrsi %select_n3A_184, %shift_right_arithmetic3A_187 : vector<512x1xi32>
    %swap3A_189 = arith.constant 0 : index
    %swap3A_190 = arith.constant 0 : index
    %swap3A_191 = vector.load %arg6[%swap3A_189, %swap3A_190] : memref<512x1xi32, #tpu.memory_space<vmem>>, vector<512x1xi32>
    tpu.vector_store %arg6[%swap3A_189, %swap3A_190], %shift_right_arithmetic3A_188 {strides = array<i32>} : memref<512x1xi32, #tpu.memory_space<vmem>>, vector<512x1xi32>,
    return
  }
  func.func @transform_0(%arg0: i32) -> (i32, i32) {
    %c0_i32 = arith.constant 0 : i32
    %c0_i32_0 = arith.constant 0 : i32
    return %arg0, %c0_i32 : i32, i32
  }
  func.func @transform_1(%arg0: i32) -> (i32, i32) {
    %c0_i32 = arith.constant 0 : i32
    %c0_i32_0 = arith.constant 0 : i32
    return %arg0, %c0_i32 : i32, i32
  }
  func.func @transform_2(%arg0: i32) -> (i32, i32) {
    %c0_i32 = arith.constant 0 : i32
    %c0_i32_0 = arith.constant 0 : i32
    return %arg0, %c0_i32 : i32, i32
  }
  func.func @transform_3(%arg0: i32) -> (i32, i32) {
    %c0_i32 = arith.constant 0 : i32
    %c0_i32_0 = arith.constant 0 : i32
    %c0_i32_1 = arith.constant 0 : i32
    return %c0_i32, %c0_i32_0 : i32, i32
  }
  func.func @transform_4(%arg0: i32) -> (i32, i32) {
    %c0_i32 = arith.constant 0 : i32
    %c0_i32_0 = arith.constant 0 : i32
    return %arg0, %c0_i32 : i32, i32
  }
  func.func @transform_5(%arg0: i32) -> (i32, i32) {
    %c0_i32 = arith.constant 0 : i32
    %c0_i32_0 = arith.constant 0 : i32
    return %arg0, %c0_i32 : i32, i32
  }
}

module attributes {stable_mosaic.version = 14 : i64} {
  func.func @_final_body(%arg0: memref<9216x64xf32, #tpu.memory_space<vmem>>, %arg1: memref<9216x128xf32, #tpu.memory_space<vmem>>, %arg2: memref<9216x1xi32, #tpu.memory_space<vmem>>, %arg3: memref<9216x128xf32, #tpu.memory_space<vmem>>, %arg4: memref<9216x1xi32, #tpu.memory_space<vmem>>, %arg5: memref<1x1xf32, #tpu.memory_space<smem>>, %arg6: memref<9216x64xf32, #tpu.memory_space<vmem>>) attributes {dimension_semantics = [], scalar_prefetch = 0 : i64, scratch_operands = 0 : i64, tpu.core_type = #tpu.core_type<tc>} {
    %get3A = arith.constant 0 : index
    %get3A_0 = arith.constant 0 : index
    %get3A_1 = vector.load %arg0[%get3A, %get3A_0] : memref<9216x64xf32, #tpu.memory_space<vmem>>, vector<9216x64xf32>
    %get3A_2 = arith.constant 0 : index
    %get3A_3 = arith.constant 0 : index
    %get3A_4 = vector.load %arg1[%get3A_2, %get3A_3] : memref<9216x128xf32, #tpu.memory_space<vmem>>, vector<9216x128xf32>
    %get3A_5 = arith.constant 0 : index
    %get3A_6 = arith.constant 0 : index
    %get3A_7 = vector.load %arg2[%get3A_5, %get3A_6] : memref<9216x1xi32, #tpu.memory_space<vmem>>, vector<9216x1xi32>
    %and3A = arith.constant 1 : i32
    %and3A_8 = vector.broadcast %and3A : i32 to vector<9216x1xi32>
    %and3A_9 = arith.andi %get3A_7, %and3A_8 : vector<9216x1xi32>
    %eq3A = arith.constant 0 : i32
    %eq3A_10 = vector.broadcast %eq3A : i32 to vector<9216x1xi32>
    %eq3A_11 = arith.cmpi eq, %and3A_9, %eq3A_10 : vector<9216x1xi32>
    %slice3A = vector.extract_strided_slice %get3A_4 {offsets = [0, 0], sizes = [9216, 64], strides = [1, 1]} : vector<9216x128xf32> to vector<9216x64xf32>
    %slice3A_12 = vector.extract_strided_slice %get3A_4 {offsets = [0, 64], sizes = [9216, 64], strides = [1, 1]} : vector<9216x128xf32> to vector<9216x64xf32>
    %broadcast_in_dim3A = vector.shape_cast %eq3A_11 : vector<9216x1xi1> to vector<9216x1xi1>
    %broadcast_in_dim3A_13 = vector.broadcast %broadcast_in_dim3A : vector<9216x1xi1> to vector<9216x64xi1>
    %select_n3A = arith.select %broadcast_in_dim3A_13, %slice3A, %slice3A_12 : vector<9216x64xi1>, vector<9216x64xf32>
    %get3A_14 = arith.constant 0 : index
    %get3A_15 = arith.constant 0 : index
    %get3A_16 = vector.load %arg3[%get3A_14, %get3A_15] : memref<9216x128xf32, #tpu.memory_space<vmem>>, vector<9216x128xf32>
    %get3A_17 = arith.constant 0 : index
    %get3A_18 = arith.constant 0 : index
    %get3A_19 = vector.load %arg4[%get3A_17, %get3A_18] : memref<9216x1xi32, #tpu.memory_space<vmem>>, vector<9216x1xi32>
    %and3A_20 = arith.constant 1 : i32
    %and3A_21 = vector.broadcast %and3A_20 : i32 to vector<9216x1xi32>
    %and3A_22 = arith.andi %get3A_19, %and3A_21 : vector<9216x1xi32>
    %eq3A_23 = arith.constant 0 : i32
    %eq3A_24 = vector.broadcast %eq3A_23 : i32 to vector<9216x1xi32>
    %eq3A_25 = arith.cmpi eq, %and3A_22, %eq3A_24 : vector<9216x1xi32>
    %slice3A_26 = vector.extract_strided_slice %get3A_16 {offsets = [0, 0], sizes = [9216, 64], strides = [1, 1]} : vector<9216x128xf32> to vector<9216x64xf32>
    %slice3A_27 = vector.extract_strided_slice %get3A_16 {offsets = [0, 64], sizes = [9216, 64], strides = [1, 1]} : vector<9216x128xf32> to vector<9216x64xf32>
    %broadcast_in_dim3A_28 = vector.shape_cast %eq3A_25 : vector<9216x1xi1> to vector<9216x1xi1>
    %broadcast_in_dim3A_29 = vector.broadcast %broadcast_in_dim3A_28 : vector<9216x1xi1> to vector<9216x64xi1>
    %select_n3A_30 = arith.select %broadcast_in_dim3A_29, %slice3A_26, %slice3A_27 : vector<9216x64xi1>, vector<9216x64xf32>
    %sub3A = arith.subf %get3A_1, %select_n3A : vector<9216x64xf32>
    %sub3A_31 = arith.subf %sub3A, %select_n3A_30 : vector<9216x64xf32>
    %add3A = arith.addf %select_n3A, %select_n3A_30 : vector<9216x64xf32>
    %sub3A_32 = arith.subf %add3A, %get3A_1 : vector<9216x64xf32>
    %add3A_33 = arith.addf %get3A_1, %sub3A_32 : vector<9216x64xf32>
    %swap3A = arith.constant 0 : index
    %swap3A_34 = arith.constant 0 : index
    %swap3A_35 = vector.load %arg6[%swap3A, %swap3A_34] : memref<9216x64xf32, #tpu.memory_space<vmem>>, vector<9216x64xf32>
    tpu.vector_store %arg6[%swap3A, %swap3A_34], %add3A_33 {strides = array<i32>} : memref<9216x64xf32, #tpu.memory_space<vmem>>, vector<9216x64xf32>,
    %mul3A = arith.mulf %sub3A, %sub3A : vector<9216x64xf32>
    %reduce_sum3A = vector.shape_cast %mul3A : vector<9216x64xf32> to vector<1x9216x64xf32>
    %reduce_sum3A_36 = arith.constant dense<0.000000e+00> : vector<1xf32>
    %reduce_sum3A_37 = vector.multi_reduction <add>, %reduce_sum3A, %reduce_sum3A_36 [1, 2] : vector<1x9216x64xf32> to vector<1xf32>
    %reduce_sum3A_38 = vector.shape_cast %reduce_sum3A_37 : vector<1xf32> to vector<1x1x1xf32>
    %reduce_sum3A_39 = vector.extract %reduce_sum3A_38[0, 0, 0] : f32 from vector<1x1x1xf32>
    %div3A = arith.constant 5.898240e+05 : f32
    %div3A_40 = arith.divf %reduce_sum3A_39, %div3A : f32
    %mul3A_41 = arith.mulf %sub3A_31, %sub3A_31 : vector<9216x64xf32>
    %reduce_sum3A_42 = vector.shape_cast %mul3A_41 : vector<9216x64xf32> to vector<1x9216x64xf32>
    %reduce_sum3A_43 = arith.constant dense<0.000000e+00> : vector<1xf32>
    %reduce_sum3A_44 = vector.multi_reduction <add>, %reduce_sum3A_42, %reduce_sum3A_43 [1, 2] : vector<1x9216x64xf32> to vector<1xf32>
    %reduce_sum3A_45 = vector.shape_cast %reduce_sum3A_44 : vector<1xf32> to vector<1x1x1xf32>
    %reduce_sum3A_46 = vector.extract %reduce_sum3A_45[0, 0, 0] : f32 from vector<1x1x1xf32>
    %div3A_47 = arith.constant 5.898240e+05 : f32
    %div3A_48 = arith.divf %reduce_sum3A_46, %div3A_47 : f32
    %mul3A_49 = arith.constant 2.500000e-01 : f32
    %mul3A_50 = arith.mulf %mul3A_49, %div3A_40 : f32
    %add3A_51 = arith.addf %div3A_40, %mul3A_50 : f32
    %add3A_52 = arith.addf %add3A_51, %div3A_48 : f32
    %mul3A_53 = arith.constant 2.500000e-01 : f32
    %mul3A_54 = arith.mulf %mul3A_53, %div3A_48 : f32
    %add3A_55 = arith.addf %add3A_52, %mul3A_54 : f32
    %swap3A_56 = arith.constant 0 : index
    %swap3A_57 = arith.constant 0 : index
    %swap3A_58 = memref.load %arg5[%swap3A_56, %swap3A_57] : memref<1x1xf32, #tpu.memory_space<smem>>
    memref.store %add3A_55, %arg5[%swap3A_56, %swap3A_57] : memref<1x1xf32, #tpu.memory_space<smem>>
    return
  }
}

</mosaic_0001>

<sc_bundles>
// kernel: kernel.10.cloned.1.call-start
scs
__scs_entry_jumppad:
0x0: {  	(pc) =	sbr.rel $0x88, $3  }
0x1: {  	(tag) =	ssettag $0x0;
	lr =	simm.s32 $0x1  }
0x2: {  	[smem:$0x3F9E] =	sst lr;
	_ =	strace $0xD0000000  }
0x3: {  	_ = 	snop  }
0x4: {  	_ = 	snop  }
0x5: {  	_ = 	snop  }
0x6: {  	_ = 	snop  }
0x7: {  	_ = 	snop  }
__scs_overlays_trampoline_lowered:
0x8: {  	[smem:$0x3FAD] =	sst s0  }
0x9: {  	[smem:$0x3FAE] =	sst s1  }
0xa: {  	[smem:$0x3FAF] =	sst s2  }
0xb: {  	[smem:$0x3FB0] =	sst s3  }
0xc: {  	[smem:$0x3FB1] =	sst s4  }
0xd: {  	[smem:$0x3FB2] =	sst s5  }
0xe: {  	[smem:$0x3FB3] =	sst s6  }
0xf: {  	[smem:$0x3FB4] =	sst s7  }
0x10: {  	[smem:$0x3FB5] =	sst s8  }
0x11: {  	[smem:$0x3FB6] =	sst s9;
	s0 =	simm.s32 @!p0 $0x0  }
0x12: {  	s1 =	sld [smem:$0x3F9C];
	s0 =	simm.s32 @p0 $0x1  }
0x13: {  	[smem:$0x3FB7] =	sst s0;
	s0 =	simm.s32 @!p1 $0x0  }
0x14: {  	s2 =	sld [smem:$0x3F9B];
	s0 =	simm.s32 @p1 $0x1  }
0x15: {  	[smem:$0x3FB8] =	sst s0;
	s0 =	simm.s32 @!p2 $0x0  }
0x16: {  	s3 =	sld [smem:$0x3FDB];
	s0 =	simm.s32 @p2 $0x1  }
0x17: {  	s4 =	simm.s32 $0x1BF5;
	[smem:$0x3FBA] =	sst s0  }
0x18: {  	s0 =	sld [smem:$0x3F9D];
	_ =	swait.ge [sflag:s4], $0x0  }
0x19: {  	s7 =	sld [smem:$0x3F9E]  }
0x1a: {  	s8 =	sadd.s32 $0xFFFFE003, lr  }
0x1b: {  	s9 =	sadd.s32 $0xFFFFFEF7, lr;
	s5 =	simm.s32 $0xFFFFFFFF;
	p2 =	slt.u32 s8, $0xFFFFF086  }
0x1c: {  	p1 =	slt.u32 s9, $0xF7A;
	s5 =	simm.s32 @!p2 $0x0  }
0x1d: {  	s5 =	simm.s32 @p1 $0x1;
	p0 =	seq.s32 s7, s2  }
0x1e: {  	s7 =	smul.u32 @!p0 $0xF7A, s2;
	p2 =	seq.s32 @!p0 s5, $0x0  }
0x1f: {  	s9 =	smul.u32 $0xF7A, s1;
	s8 =	simm.s32 @!p0 $0x1BF5;
	p2 =	por !p2, p0  }
0x20: {  	[sflag:s8] =	ssyncset.s32 @!p0 $0xFFFFF086;
	s6 =	sadd.s32 @!p0 s3, s7;
	s7 =	simm.s32 @!p0 $0x108  }
0x21: {  	s3 =	sadd.s32 s3, s9;
	s6 =	sadd.s32 @!p0 $0x88, s6;
	s7 =	simm.s32 @p2 $0x1082  }
0x22: {  	[simem:s7], [sflag:s8] =	dma.local @!p0 [hbm:s6], $0xF7A  }
0x23: {  	s9 =	sor.u32 $0xD0000000, s2;
	s6 =	simm.s32 $0x108;
	_ =	swait.ge @!p0 [sflag:s8], $0x0  }
0x24: {  	s3 =	sadd.s32 $0x88, s3;
	s6 =	simm.s32 @!p1 $0x1082;
	[sflag:s4] =	ssyncset.s32 $0xFFFFF086  }
0x25: {  	[simem:s6], [sflag:s4] =	dma.local [hbm:s3], $0xF7A  }
0x26: {  	[smem:$0x3F9E] =	sst s1;
	(tag) =	ssettag s2;
	_ =	strace s9  }
0x27: {  	s1 =	sld [smem:$0x3FAE]  }
0x28: {  	s2 =	sld [smem:$0x3FAF]  }
0x29: {  	s4 =	sld [smem:$0x3FB1]  }
0x2a: {  	p0 =	seq.s32 s5, $0x0;
	s5 =	sld [smem:$0x3FB2]  }
0x2b: {  	s6 =	sld [smem:$0x3FB3]  }
0x2c: {  	s7 =	sld [smem:$0x3FB4]  }
0x2d: {  	s3 =	simm.s32 $0x108;
	s8 =	sld [smem:$0x3FB5]  }
0x2e: {  	s3 =	simm.s32 @!p0 $0x1082;
	s9 =	sld [smem:$0x3FB6]  }
0x2f: {  	lr =	sadd.s32 s0, s3;
	s0 =	sld [smem:$0x3FAD]  }
0x30: {  	s3 =	sld [smem:$0x3FB0]  }
0x31: {  	[smem:$0x3FB9] =	sst s10  }
0x32: {  	s10 =	sld [smem:$0x3FB7];
	_ =	sdelay $0x3  }
0x33: {  	p0 =	seq.s32 s10, $0x1;
	s10 =	sld [smem:$0x3FB9];
	_ =	sdelay $0x3  }
0x34: {  	[smem:$0x3FB9] =	sst s10  }
0x35: {  	s10 =	sld [smem:$0x3FB8];
	_ =	sdelay $0x3  }
0x36: {  	p1 =	seq.s32 s10, $0x1;
	s10 =	sld [smem:$0x3FB9];
	_ =	sdelay $0x3  }
0x37: {  	[smem:$0x3FB9] =	sst s10  }
0x38: {  	s10 =	sld [smem:$0x3FBA]  }
0x39: {  	_ = 	snop;
	(pc) =	sbr.ind lr, $3  }
0x3a: {  	_ = 	snop  }
0x3b: {  	_ = 	snop  }
0x3c: {  	p2 =	seq.s32 s10, $0x1;
	s10 =	sld [smem:$0x3FB9]  }
0x3d: {  	_ =	shalt  }
0x3e: {  	_ =	shalt  }
0x3f: {  	_ =	shalt  }
0x40: {  	_ =	shalt  }
0x41: {  	_ =	shalt  }
0x42: {  	_ =	shalt  }
0x43: {  	_ =	shalt  }
0x44: {  	_ =	shalt  }
0x45: {  	_ =	shalt  }
0x46: {  	_ =	shalt  }
0x47: {  	_ =	shalt  }
0x48: {  	_ =	shalt  }
0x49: {  	_ =	shalt  }
0x4a: {  	_ =	shalt  }
0x4b: {  	_ =	shalt  }
0x4c: {  	_ =	shalt  }
0x4d: {  	_ =	shalt  }
0x4e: {  	_ =	shalt  }
0x4f: {  	_ =	shalt  }
0x50: {  	_ =	shalt  }
0x51: {  	_ =	shalt  }
0x52: {  	_ =	shalt  }
0x53: {  	_ =	shalt  }
0x54: {  	_ =	shalt  }
0x55: {  	_ =	shalt  }
0x56: {  	_ =	shalt  }
0x57: {  	_ =	shalt  }
0x58: {  	_ =	shalt  }
0x59: {  	_ =	shalt  }
0x5a: {  	_ =	shalt  }
0x5b: {  	_ =	shalt  }
0x5c: {  	_ =	shalt  }
0x5d: {  	_ =	shalt  }
0x5e: {  	_ =	shalt  }
0x5f: {  	_ =	shalt  }
0x60: {  	_ =	shalt  }
0x61: {  	_ =	shalt  }
0x62: {  	_ =	shalt  }
0x63: {  	_ =	shalt  }
0x64: {  	_ =	shalt  }
0x65: {  	_ =	shalt  }
0x66: {  	_ =	shalt  }
0x67: {  	_ =	shalt  }
0x68: {  	_ =	shalt  }
0x69: {  	_ =	shalt  }
0x6a: {  	_ =	shalt  }
0x6b: {  	_ =	shalt  }
0x6c: {  	_ =	shalt  }
0x6d: {  	_ =	shalt  }
0x6e: {  	_ =	shalt  }
0x6f: {  	_ =	shalt  }
0x70: {  	_ =	shalt  }
0x71: {  	_ =	shalt  }
0x72: {  	_ =	shalt  }
0x73: {  	_ =	shalt  }
0x74: {  	_ =	shalt  }
0x75: {  	_ =	shalt  }
0x76: {  	_ =	shalt  }
0x77: {  	_ =	shalt  }
0x78: {  	_ =	shalt  }
0x79: {  	_ =	shalt  }
0x7a: {  	_ =	shalt  }
0x7b: {  	_ =	shalt  }
0x7c: {  	_ =	shalt  }
0x7d: {  	_ =	shalt  }
0x7e: {  	_ =	shalt  }
0x7f: {  	_ =	shalt  }
0x80: {  	_ =	shalt  }
0x81: {  	_ =	shalt  }
0x82: {  	_ =	shalt  }
0x83: {  	_ =	shalt  }
0x84: {  	_ =	shalt  }
0x85: {  	_ =	shalt  }
0x86: {  	_ =	shalt  }
0x87: {  	_ =	shalt  }
.Lfunc_end0:
.L_simem_size_0:
called_computation.1_lowered:
.L_overlay_start_0:
0x88: {  	s2 =	sld [smem:$0x3FD9]  }
0x89: {  	s3 =	sld [smem:$0x3FFE];
	_ =	sdelay $0x1  }
0x8a: {  	s1 =	srdreg.scid  }
0x8b: {  	s0 =	sand.u32 $0x1, s1  }
0x8c: {  	s14 =	sshll.u32 s0, $0xA;
	s2 =	sadd.s32 s3, s2  }
0x8d: {  	s2 =	sadd.s32 s2, s14  }
0x8e: {  	[smem:$0x3FC5] =	sst s2  }
0x8f: {  	_ = 	snop  }
0x90: {  	s2 =	sld [smem:$0x3FD0];
	_ =	sdelay $0x2  }
0x91: {  	s15 =	simm.s32 $0xA;
	s4 =	simm.s32 $0x10  }
0x92: {  	[smem:s4], [sflag:s15] =	dma.local [hbm:s2], $0x1  }
0x93: {  	_ =	swait.eq [sflag:s15], $0x1  }
0x94: {  	[sflag:s15] =	ssyncset.done $0x0  }
0x95: {  	[sflag:s15] =	ssyncadd.s32 $0xFFFFFFFF  }
0x96: {  	s16 =	sld [smem:$0x11];
	(tm) =	ssettm $0x1  }
0x97: {  	s17 =	sld [smem:$0x3FFB];
	_ =	sdelay $0x3  }
0x98: {  	_ =	strace s17  }
0x99: {  	s3 =	sld [smem:$0x3FFC];
	_ =	sdelay $0x3  }
0x9a: {  	_ =	strace s3  }
0x9b: {  	s3 =	sld [smem:$0x3FFD];
	_ =	sdelay $0x3  }
0x9c: {  	_ =	strace s3  }
0x9d: {  	_ =	strace $0x8FFFFFFF  }
0x9e: {  	s18 =	sld [smem:$0x3FDB];
	_ =	sdelay $0x1  }
0x9f: {  	s19 =	simm.s32 $_scs_section_size  }
0xa0: {  	s5 =	simm.s32 $_size__tile_overlayer_lowered;
	s6 =	simm.s32 $_tile_overlayer_lowered  }
0xa1: {  	s22 =	simm.s32 $0x1BFF;
	s21 =	sshll.u32 s6, $0x1;
	s3 =	sadd.s32 s19, s18  }
0xa2: {  	s7 =	simm.s32 $0x0;
	s20 =	sshll.u32 s5, $0x1;
	s5 =	sadd.s32 s21, s3  }
0xa3: {  	[timem:s7], [sflag:s22] =	dma.local [hbm:s5], s20  }
0xa4: {  	_ =	swait.ge [sflag:s22], s20  }
0xa5: {  	s4 =	ssub.s32 $0x0, s20;
	[sflag:s22] =	ssyncset.done $0x0  }
0xa6: {  	[sflag:s22] =	ssyncadd.s32 s4;
	_ =	sdelay $0x1  }
0xa7: {  	s23 =	simm.s32 $0x1B8B  }
0xa8: {  	_ =	swait.ge [sflag:s23], $0x1  }
0xa9: {  	[sflag:s23] =	ssyncset.done $0x0  }
0xaa: {  	s25 =	simm.s32 $0x1B8E;
	s24 =	sld [smem:$0x3FFE];
	[sflag:s23] =	ssyncadd.s32 $0xFFFFFFFF  }
0xab: {  	s26 =	simm.s32 $execute0_lowered;
	[smem:$0x3FD2] =	sst s25  }
0xac: {  	s5 =	sshll.u32 s26, $0x1;
	_ =	strace $0x80000049;
	[dreg:$0x1] =	wrdreg $0xFFFFFFFF  }
0xad: {  	s28 =	simm.s32 $_size_execute0_lowered;
	s3 =	sadd.s32 s3, s5;
	[dreg:$0x0] =	wrdreg $0x0  }
0xae: {  	s5 =	sshll.u32 s28, $0x1;
	[dreg:$0x2] =	wrdreg s3  }
0xaf: {  	[dreg:$0x3] =	wrdreg s5  }
0xb0: {  	[dreg:$0x4] =	wrdreg $0xC0  }
0xb1: {  	_ =	task [dreg:s7], $0x5FFFF  }
0xb2: {  	[dreg:$0x1] =	wrdreg $0xFFFFFFFF  }
0xb3: {  	[dreg:$0x0] =	wrdreg $0x60  }
0xb4: {  	[dreg:$0x2] =	wrdreg s24  }
0xb5: {  	[dreg:$0x3] =	wrdreg s16  }
0xb6: {  	[dreg:$0x4] =	wrdreg $0x9  }
0xb7: {  	_ =	task.clear_ibuf [dreg:s7], $0x5FFFF;
	_ =	strace $0x90000049  }
0xb8: {  	s29 =	simm.s32 $0x9;
	_ =	strace $0x8000004B  }
0xb9: {  	_ =	swait.ge [sflag:s29], $0x1  }
0xba: {  	[sflag:s29] =	ssyncadd.s32 $0xFFFFFFFF  }
0xbb: {  	_ =	strace $0x9000004B  }
0xbc: {  	_ =	sfence  }
0xbd: {  	s30 =	sld [smem:$0x0];
	_ =	sdelay $0x2  }
0xbe: {  	s31 =	sshll.u32 s1, $0xD;
	s1 =	sshrl.u32 s1, $0x2  }
0xbf: {  	s3 =	sand.u32 $0x4000, s31;
	s1 =	sadd.s32 s1, s30  }
0xc0: {  	s0 =	sor.u32 s3, s0;
	s1 =	sshll.u32 s1, $0x11  }
0xc1: {  	s0 =	sor.u32 s1, s0  }
0xc2: {  	s0 =	sadd.s32 $0x8F2B, s0  }
0xc3: {  	[sflag:s0] =	ssyncadd.remote.s32 $0x1  }
0xc4: {  	_ =	sfence.sel $0xFFFF  }
0xc5: {  	[dreg:$0x0] =	wrdreg $0xFFFFFFFF;
	(pc) =	sbr.abs _section_cstart, $3  }
0xc6: {  	[dreg:$0x1] =	wrdreg $0xFFFFFFFF  }
0xc7: {  	_ =	task.clear_ibuf [dreg:s7], $0x2FFFF;
	_ =	strace $0x9FFFFFFF  }
0xc8: {  	(tm) =	ssettm $0x7FFFFFFF  }
0xc9: {  	_ =	shalt  }
tec
execute0_lowered:
.L_overlay_start_1:
0x0: {  	(tag) =	ssettag $0x1  }
0x1: {  	s13 =	rddreg [dreg:$0x0]  }
0x2: {  	s1 =	srdreg.scid;
	s0 =	stileid.u32  }
0x3: {  	s3 =	rddreg [dreg:$0x1];
	s14 =	sand.u32 $0x1, s1;
	s4 =	sshll.u32 s0, $0x1  }
0x4: {  	s2 =	simm.s32 $0x0;
	s1 =	rddreg [dreg:$0x2];
	s15 =	sor.u32 s14, s4  }
0x5: {  	[smem:$0x7FF] =	sst s2;
	s4 =	sshll.u32 s15, $0x6  }
0x6: {  	_ =	strace $0x8000004A;
	s4 =	sadd.s32 s3, s4;
	s3 =	simm.s32 $0x2  }
0x7: {  	[tilespmem:s2], [sflag:$0x2] =	stream.linear.gather [hbm4b:s4+s2], $0x180, $0x38;
	[tilespmem:$0x9200] =	vst v63  }
0x8: {  	_ =	swait.ge [sflag:s3], $0x180  }
0x9: {  	s6 =	simm.s32 $0x60;
	[sflag:s3] =	ssyncset.done $0x0  }
0xa: {  	s7 =	simm.s32 $0x200;
	s5 =	sadd.s32 $0x4A400, s13;
	[sflag:s3] =	ssyncadd.s32 $0xFFFFFE80  }
0xb: {  	[tilespmem:s7], [sflag:$0x1] =	stream.indirect.gather [hbm4b:s5+s6], $0x80, s2, s6, $0xb8;
	[tilespmem:$0x9200] =	vst v63  }
0xc: {  	s8 =	simm.s32 $0x80;
	s9 =	simm.s32 $0x3200  }
0xd: {  	[tilespmem:s9], [sflag:$0x1] =	stream.indirect.gather [hbm4b:s5+s6], $0x80, s8, s6, $0xb8;
	[tilespmem:$0x9200] =	vst v63  }
0xe: {  	s10 =	simm.s32 $0x100;
	s11 =	simm.s32 $0x6200;
	s12 =	simm.s32 $0x1  }
0xf: {  	[tilespmem:s11], [sflag:$0x1] =	stream.indirect.gather [hbm4b:s5+s6], $0x80, s10, s6, $0xb8;
	[tilespmem:$0x9200] =	vst v63  }
0x10: {  	_ =	swait.ge [sflag:s12], $0x3000  }
0x11: {  	[sflag:s12] =	ssyncset.done $0x0  }
0x12: {  	[sflag:s12] =	ssyncadd.s32 $0xFFFFD000  }
0x13: {  	_ =	swait.ge [sflag:s12], $0x3000  }
0x14: {  	[sflag:s12] =	ssyncset.done $0x0  }
0x15: {  	[sflag:s12] =	ssyncadd.s32 $0xFFFFD000  }
0x16: {  	s16 =	smul.u32 $0x1200, s15;
	_ =	swait.ge [sflag:s12], $0x3000  }
0x17: {  	s17 =	sadd.s32 $0x7E400, s13;
	s30 =	ssub.s32 $0x2, s14;
	[sflag:s12] =	ssyncset.done $0x0  }
0x18: {  	s15 =	smul.u32 $0x9000, s15;
	s13 =	sadd.s32 s17, s16;
	[sflag:s12] =	ssyncadd.s32 $0xFFFFD000  }
0x19: {  	[hbm4b:s13+s2] =	stream.linear.scatter [tilespmem:s7], [sflag:$0x2], $0x3000, $0x38;
	[tilespmem:$0x9200] =	vst v63  }
0x1a: {  	s31 =	sshrl.u32 s30, $0x1;
	s15 =	sshrl.u32 s15, $0x3;
	_ =	swait.ge [sflag:s3], $0x3000  }
0x1b: {  	s16 =	ssub.s32 s30, s31;
	s15 =	sadd.s32 s17, s15;
	[sflag:s3] =	ssyncset.done $0x0  }
0x1c: {  	s16 =	smax.u32 s16, $0x1;
	s14 =	sadd.s32 $0x600, s15;
	[sflag:s3] =	ssyncadd.s32 $0xFFFFD000  }
0x1d: {  	[hbm4b:s14+s2] =	stream.linear.scatter [tilespmem:s9], [sflag:$0x2], $0x3000, $0x38;
	[tilespmem:$0x9200] =	vst v63  }
0x1e: {  	p0 =	sne.s32 s16, $0x1;
	_ =	swait.ge [sflag:s3], $0x3000  }
.Ltmp0:
0x1f: {  	[sflag:s3] =	ssyncset.done $0x0;
	(pc) =	sbr.rel @!p0 .LBB2_2-.Ltmp0, $4  }
0x20: {  	s15 =	sadd.s32 $0xC00, s15;
	[sflag:s3] =	ssyncadd.s32 $0xFFFFD000  }
0x21: {  	[hbm4b:s15+s2] =	stream.linear.scatter [tilespmem:s11], [sflag:$0x2], $0x3000, $0x38;
	[tilespmem:$0x9200] =	vst v63  }
0x22: {  	_ =	swait.ge [sflag:s3], $0x3000  }
0x23: {  	s16 =	sadd.s32 $0xFFFFFFFF, s16;
	[sflag:s3] =	ssyncset.done $0x0  }
.LBB2_1:
0x24: {  	p0 =	sne.s32 s16, $0x1;
	s16 =	sadd.s32 $0xFFFFFFFF, s16;
	[sflag:s3] =	ssyncadd.s32 $0xFFFFD000  }
0x25: {  	[tilespmem:s2], [sflag:$0x2] =	stream.linear.gather [hbm4b:s4+s2], $0x180, $0x38;
	[tilespmem:$0x9200] =	vst v63  }
0x26: {  	_ =	swait.ge [sflag:s3], $0x180  }
0x27: {  	[sflag:s3] =	ssyncset.done $0x0  }
0x28: {  	[sflag:s3] =	ssyncadd.s32 $0xFFFFFE80  }
0x29: {  	[tilespmem:s7], [sflag:$0x1] =	stream.indirect.gather [hbm4b:s5+s6], $0x80, s2, s6, $0xb8;
	[tilespmem:$0x9200] =	vst v63  }
0x2a: {  	_ = 	snop  }
0x2b: {  	[tilespmem:s9], [sflag:$0x1] =	stream.indirect.gather [hbm4b:s5+s6], $0x80, s8, s6, $0xb8;
	[tilespmem:$0x9200] =	vst v63  }
0x2c: {  	_ = 	snop  }
0x2d: {  	[tilespmem:s11], [sflag:$0x1] =	stream.indirect.gather [hbm4b:s5+s6], $0x80, s10, s6, $0xb8;
	[tilespmem:$0x9200] =	vst v63  }
0x2e: {  	_ =	swait.ge [sflag:s12], $0x3000  }
0x2f: {  	[sflag:s12] =	ssyncset.done $0x0  }
0x30: {  	[sflag:s12] =	ssyncadd.s32 $0xFFFFD000  }
0x31: {  	_ =	swait.ge [sflag:s12], $0x3000  }
0x32: {  	[sflag:s12] =	ssyncset.done $0x0  }
0x33: {  	[sflag:s12] =	ssyncadd.s32 $0xFFFFD000  }
0x34: {  	_ =	swait.ge [sflag:s12], $0x3000  }
0x35: {  	[sflag:s12] =	ssyncset.done $0x0  }
0x36: {  	[sflag:s12] =	ssyncadd.s32 $0xFFFFD000  }
0x37: {  	[hbm4b:s13+s2] =	stream.linear.scatter [tilespmem:s7], [sflag:$0x2], $0x3000, $0x38;
	[tilespmem:$0x9200] =	vst v63  }
0x38: {  	_ =	swait.ge [sflag:s3], $0x3000  }
0x39: {  	[sflag:s3] =	ssyncset.done $0x0  }
0x3a: {  	[sflag:s3] =	ssyncadd.s32 $0xFFFFD000  }
0x3b: {  	[hbm4b:s14+s2] =	stream.linear.scatter [tilespmem:s9], [sflag:$0x2], $0x3000, $0x38;
	[tilespmem:$0x9200] =	vst v63  }
0x3c: {  	_ =	swait.ge [sflag:s3], $0x3000  }
.Ltmp1:
0x3d: {  	[sflag:s3] =	ssyncset.done $0x0;
	(pc) =	sbr.rel @p0 .LBB2_1-.Ltmp1, $4  }
0x3e: {  	[sflag:s3] =	ssyncadd.s32 $0xFFFFD000  }
0x3f: {  	[hbm4b:s15+s2] =	stream.linear.scatter [tilespmem:s11], [sflag:$0x2], $0x3000, $0x38;
	[tilespmem:$0x9200] =	vst v63  }
0x40: {  	_ =	swait.ge [sflag:s3], $0x3000  }
0x41: {  	[sflag:s3] =	ssyncset.done $0x0  }
.LBB2_2:
0x42: {  	[sflag:s3] =	ssyncadd.s32 $0xFFFFD000  }
0x43: {  	_ =	sfence.sel $0x180000  }
0x44: {  	[bflag:$0x0] =	sbarrier.arrive $0xFFFF  }
0x45: {  	p0 =	sne.s32 s0, $0x0;
	_ =	strace $0x9000004A  }
0x46: {  	s0 =	sadd.s32 @!p0 $0x100000, s1;
	[bflag:$0x2] =	sbarrier.arrive $0xFFFF  }
0x47: {  	[sflag:s0] =	ssyncadd.tile.s32 @!p0 $0x1;
	_ =	shalt  }
.Lfunc_end2:
_tile_overlayer_lowered:
.L_overlay_start_2:
0x48: {  	(tag) =	ssettag $0x2  }
0x49: {  	s0 =	rddreg [dreg:$0x0];
	s2 =	stileid.u32  }
0x4a: {  	s1 =	rddreg [dreg:$0x1];
	p0 =	sne.s32 s2, $0x0  }
0x4b: {  	s3 =	rddreg [dreg:$0x2];
	[bflag:$0x3] =	sbarrier.arrive $0xFFFF;
	s2 =	simm.s32 @!p0 $0x1C02  }
0x4c: {  	[timem:s3], [sflag:s2] =	dma.local @!p0 [hbm:s0], s1  }
0x4d: {  	s0 =	simm.s32 @!p0 $0x2  }
0x4e: {  	_ =	swait.ge @!p0 [sflag:s0], s1  }
0x4f: {  	s1 =	ssub.s32 @!p0 $0x0, s1;
	[sflag:s0] =	ssyncset.done @!p0 $0x0  }
0x50: {  	[sflag:s0] =	ssyncadd.s32 @!p0 s1  }
0x51: {  	[bflag:$0x3] =	sbarrier.arrive $0xFFFF  }
0x52: {  	_ =	shalt  }

// kernel: kernel.7.cloned.1.call-start
scs
__scs_entry_jumppad:
0x0: {  	(pc) =	sbr.rel $0x88, $3  }
0x1: {  	(tag) =	ssettag $0x0;
	lr =	simm.s32 $0x1  }
0x2: {  	[smem:$0x3F9E] =	sst lr;
	_ =	strace $0xD0000000  }
0x3: {  	_ = 	snop  }
0x4: {  	_ = 	snop  }
0x5: {  	_ = 	snop  }
0x6: {  	_ = 	snop  }
0x7: {  	_ = 	snop  }
__scs_overlays_trampoline_lowered:
0x8: {  	[smem:$0x3FAD] =	sst s0  }
0x9: {  	[smem:$0x3FAE] =	sst s1  }
0xa: {  	[smem:$0x3FAF] =	sst s2  }
0xb: {  	[smem:$0x3FB0] =	sst s3  }
0xc: {  	[smem:$0x3FB1] =	sst s4  }
0xd: {  	[smem:$0x3FB2] =	sst s5  }
0xe: {  	[smem:$0x3FB3] =	sst s6  }
0xf: {  	[smem:$0x3FB4] =	sst s7  }
0x10: {  	[smem:$0x3FB5] =	sst s8  }
0x11: {  	[smem:$0x3FB6] =	sst s9;
	s0 =	simm.s32 @!p0 $0x0  }
0x12: {  	s1 =	sld [smem:$0x3F9C];
	s0 =	simm.s32 @p0 $0x1  }
0x13: {  	[smem:$0x3FB7] =	sst s0;
	s0 =	simm.s32 @!p1 $0x0  }
0x14: {  	s2 =	sld [smem:$0x3F9B];
	s0 =	simm.s32 @p1 $0x1  }
0x15: {  	[smem:$0x3FB8] =	sst s0;
	s0 =	simm.s32 @!p2 $0x0  }
0x16: {  	s3 =	sld [smem:$0x3FDB];
	s0 =	simm.s32 @p2 $0x1  }
0x17: {  	s4 =	simm.s32 $0x1BF5;
	[smem:$0x3FBA] =	sst s0  }
0x18: {  	s0 =	sld [smem:$0x3F9D];
	_ =	swait.ge [sflag:s4], $0x0  }
0x19: {  	s7 =	sld [smem:$0x3F9E]  }
0x1a: {  	s8 =	sadd.s32 $0xFFFFE003, lr  }
0x1b: {  	s9 =	sadd.s32 $0xFFFFFEF7, lr;
	s5 =	simm.s32 $0xFFFFFFFF;
	p2 =	slt.u32 s8, $0xFFFFF086  }
0x1c: {  	p1 =	slt.u32 s9, $0xF7A;
	s5 =	simm.s32 @!p2 $0x0  }
0x1d: {  	s5 =	simm.s32 @p1 $0x1;
	p0 =	seq.s32 s7, s2  }
0x1e: {  	s7 =	smul.u32 @!p0 $0xF7A, s2;
	p2 =	seq.s32 @!p0 s5, $0x0  }
0x1f: {  	s9 =	smul.u32 $0xF7A, s1;
	s8 =	simm.s32 @!p0 $0x1BF5;
	p2 =	por !p2, p0  }
0x20: {  	[sflag:s8] =	ssyncset.s32 @!p0 $0xFFFFF086;
	s6 =	sadd.s32 @!p0 s3, s7;
	s7 =	simm.s32 @!p0 $0x108  }
0x21: {  	s3 =	sadd.s32 s3, s9;
	s6 =	sadd.s32 @!p0 $0x88, s6;
	s7 =	simm.s32 @p2 $0x1082  }
0x22: {  	[simem:s7], [sflag:s8] =	dma.local @!p0 [hbm:s6], $0xF7A  }
0x23: {  	s9 =	sor.u32 $0xD0000000, s2;
	s6 =	simm.s32 $0x108;
	_ =	swait.ge @!p0 [sflag:s8], $0x0  }
0x24: {  	s3 =	sadd.s32 $0x88, s3;
	s6 =	simm.s32 @!p1 $0x1082;
	[sflag:s4] =	ssyncset.s32 $0xFFFFF086  }
0x25: {  	[simem:s6], [sflag:s4] =	dma.local [hbm:s3], $0xF7A  }
0x26: {  	[smem:$0x3F9E] =	sst s1;
	(tag) =	ssettag s2;
	_ =	strace s9  }
0x27: {  	s1 =	sld [smem:$0x3FAE]  }
0x28: {  	s2 =	sld [smem:$0x3FAF]  }
0x29: {  	s4 =	sld [smem:$0x3FB1]  }
0x2a: {  	p0 =	seq.s32 s5, $0x0;
	s5 =	sld [smem:$0x3FB2]  }
0x2b: {  	s6 =	sld [smem:$0x3FB3]  }
0x2c: {  	s7 =	sld [smem:$0x3FB4]  }
0x2d: {  	s3 =	simm.s32 $0x108;
	s8 =	sld [smem:$0x3FB5]  }
0x2e: {  	s3 =	simm.s32 @!p0 $0x1082;
	s9 =	sld [smem:$0x3FB6]  }
0x2f: {  	lr =	sadd.s32 s0, s3;
	s0 =	sld [smem:$0x3FAD]  }
0x30: {  	s3 =	sld [smem:$0x3FB0]  }
0x31: {  	[smem:$0x3FB9] =	sst s10  }
0x32: {  	s10 =	sld [smem:$0x3FB7];
	_ =	sdelay $0x3  }
0x33: {  	p0 =	seq.s32 s10, $0x1;
	s10 =	sld [smem:$0x3FB9];
	_ =	sdelay $0x3  }
0x34: {  	[smem:$0x3FB9] =	sst s10  }
0x35: {  	s10 =	sld [smem:$0x3FB8];
	_ =	sdelay $0x3  }
0x36: {  	p1 =	seq.s32 s10, $0x1;
	s10 =	sld [smem:$0x3FB9];
	_ =	sdelay $0x3  }
0x37: {  	[smem:$0x3FB9] =	sst s10  }
0x38: {  	s10 =	sld [smem:$0x3FBA]  }
0x39: {  	_ = 	snop;
	(pc) =	sbr.ind lr, $3  }
0x3a: {  	_ = 	snop  }
0x3b: {  	_ = 	snop  }
0x3c: {  	p2 =	seq.s32 s10, $0x1;
	s10 =	sld [smem:$0x3FB9]  }
0x3d: {  	_ =	shalt  }
0x3e: {  	_ =	shalt  }
0x3f: {  	_ =	shalt  }
0x40: {  	_ =	shalt  }
0x41: {  	_ =	shalt  }
0x42: {  	_ =	shalt  }
0x43: {  	_ =	shalt  }
0x44: {  	_ =	shalt  }
0x45: {  	_ =	shalt  }
0x46: {  	_ =	shalt  }
0x47: {  	_ =	shalt  }
0x48: {  	_ =	shalt  }
0x49: {  	_ =	shalt  }
0x4a: {  	_ =	shalt  }
0x4b: {  	_ =	shalt  }
0x4c: {  	_ =	shalt  }
0x4d: {  	_ =	shalt  }
0x4e: {  	_ =	shalt  }
0x4f: {  	_ =	shalt  }
0x50: {  	_ =	shalt  }
0x51: {  	_ =	shalt  }
0x52: {  	_ =	shalt  }
0x53: {  	_ =	shalt  }
0x54: {  	_ =	shalt  }
0x55: {  	_ =	shalt  }
0x56: {  	_ =	shalt  }
0x57: {  	_ =	shalt  }
0x58: {  	_ =	shalt  }
0x59: {  	_ =	shalt  }
0x5a: {  	_ =	shalt  }
0x5b: {  	_ =	shalt  }
0x5c: {  	_ =	shalt  }
0x5d: {  	_ =	shalt  }
0x5e: {  	_ =	shalt  }
0x5f: {  	_ =	shalt  }
0x60: {  	_ =	shalt  }
0x61: {  	_ =	shalt  }
0x62: {  	_ =	shalt  }
0x63: {  	_ =	shalt  }
0x64: {  	_ =	shalt  }
0x65: {  	_ =	shalt  }
0x66: {  	_ =	shalt  }
0x67: {  	_ =	shalt  }
0x68: {  	_ =	shalt  }
0x69: {  	_ =	shalt  }
0x6a: {  	_ =	shalt  }
0x6b: {  	_ =	shalt  }
0x6c: {  	_ =	shalt  }
0x6d: {  	_ =	shalt  }
0x6e: {  	_ =	shalt  }
0x6f: {  	_ =	shalt  }
0x70: {  	_ =	shalt  }
0x71: {  	_ =	shalt  }
0x72: {  	_ =	shalt  }
0x73: {  	_ =	shalt  }
0x74: {  	_ =	shalt  }
0x75: {  	_ =	shalt  }
0x76: {  	_ =	shalt  }
0x77: {  	_ =	shalt  }
0x78: {  	_ =	shalt  }
0x79: {  	_ =	shalt  }
0x7a: {  	_ =	shalt  }
0x7b: {  	_ =	shalt  }
0x7c: {  	_ =	shalt  }
0x7d: {  	_ =	shalt  }
0x7e: {  	_ =	shalt  }
0x7f: {  	_ =	shalt  }
0x80: {  	_ =	shalt  }
0x81: {  	_ =	shalt  }
0x82: {  	_ =	shalt  }
0x83: {  	_ =	shalt  }
0x84: {  	_ =	shalt  }
0x85: {  	_ =	shalt  }
0x86: {  	_ =	shalt  }
0x87: {  	_ =	shalt  }
.Lfunc_end0:
.L_simem_size_0:
called_computation_lowered:
.L_overlay_start_0:
0x88: {  	s2 =	sld [smem:$0x3FD9]  }
0x89: {  	s3 =	sld [smem:$0x3FFE];
	_ =	sdelay $0x1  }
0x8a: {  	s1 =	srdreg.scid  }
0x8b: {  	s0 =	sand.u32 $0x1, s1  }
0x8c: {  	s14 =	sshll.u32 s0, $0xA;
	s2 =	sadd.s32 s3, s2  }
0x8d: {  	s2 =	sadd.s32 s2, s14  }
0x8e: {  	[smem:$0x3FC5] =	sst s2  }
0x8f: {  	_ = 	snop  }
0x90: {  	s2 =	sld [smem:$0x3FD0];
	_ =	sdelay $0x2  }
0x91: {  	s15 =	simm.s32 $0xA;
	s4 =	simm.s32 $0x10  }
0x92: {  	[smem:s4], [sflag:s15] =	dma.local [hbm:s2], $0x1  }
0x93: {  	_ =	swait.eq [sflag:s15], $0x1  }
0x94: {  	[sflag:s15] =	ssyncset.done $0x0  }
0x95: {  	[sflag:s15] =	ssyncadd.s32 $0xFFFFFFFF  }
0x96: {  	s16 =	sld [smem:$0x11];
	(tm) =	ssettm $0x1  }
0x97: {  	s17 =	sld [smem:$0x3FFB];
	_ =	sdelay $0x3  }
0x98: {  	_ =	strace s17  }
0x99: {  	s3 =	sld [smem:$0x3FFC];
	_ =	sdelay $0x3  }
0x9a: {  	_ =	strace s3  }
0x9b: {  	s3 =	sld [smem:$0x3FFD];
	_ =	sdelay $0x3  }
0x9c: {  	_ =	strace s3  }
0x9d: {  	_ =	strace $0x8FFFFFFF  }
0x9e: {  	s18 =	sld [smem:$0x3FDB];
	_ =	sdelay $0x1  }
0x9f: {  	s19 =	simm.s32 $_scs_section_size  }
0xa0: {  	s5 =	simm.s32 $_size__tile_overlayer_lowered;
	s6 =	simm.s32 $_tile_overlayer_lowered  }
0xa1: {  	s22 =	simm.s32 $0x1BFF;
	s21 =	sshll.u32 s6, $0x1;
	s3 =	sadd.s32 s19, s18  }
0xa2: {  	s7 =	simm.s32 $0x0;
	s20 =	sshll.u32 s5, $0x1;
	s5 =	sadd.s32 s21, s3  }
0xa3: {  	[timem:s7], [sflag:s22] =	dma.local [hbm:s5], s20  }
0xa4: {  	_ =	swait.ge [sflag:s22], s20  }
0xa5: {  	s4 =	ssub.s32 $0x0, s20;
	[sflag:s22] =	ssyncset.done $0x0  }
0xa6: {  	[sflag:s22] =	ssyncadd.s32 s4;
	_ =	sdelay $0x1  }
0xa7: {  	s23 =	simm.s32 $0x1B8B  }
0xa8: {  	_ =	swait.ge [sflag:s23], $0x1  }
0xa9: {  	[sflag:s23] =	ssyncset.done $0x0  }
0xaa: {  	s25 =	simm.s32 $0x1B8E;
	s24 =	sld [smem:$0x3FFE];
	[sflag:s23] =	ssyncadd.s32 $0xFFFFFFFF  }
0xab: {  	s26 =	simm.s32 $execute0_lowered;
	[smem:$0x3FD2] =	sst s25  }
0xac: {  	s5 =	sshll.u32 s26, $0x1;
	_ =	strace $0x80000046;
	[dreg:$0x1] =	wrdreg $0xFFFFFFFF  }
0xad: {  	s28 =	simm.s32 $_size_execute0_lowered;
	s3 =	sadd.s32 s3, s5;
	[dreg:$0x0] =	wrdreg $0x0  }
0xae: {  	s5 =	sshll.u32 s28, $0x1;
	[dreg:$0x2] =	wrdreg s3  }
0xaf: {  	[dreg:$0x3] =	wrdreg s5  }
0xb0: {  	[dreg:$0x4] =	wrdreg $0xC0  }
0xb1: {  	_ =	task [dreg:s7], $0x5FFFF  }
0xb2: {  	[dreg:$0x1] =	wrdreg $0xFFFFFFFF  }
0xb3: {  	[dreg:$0x0] =	wrdreg $0x60  }
0xb4: {  	[dreg:$0x2] =	wrdreg s16  }
0xb5: {  	[dreg:$0x3] =	wrdreg s24  }
0xb6: {  	[dreg:$0x4] =	wrdreg $0x9  }
0xb7: {  	_ =	task.clear_ibuf [dreg:s7], $0x5FFFF;
	_ =	strace $0x90000046  }
0xb8: {  	s29 =	simm.s32 $0x9;
	_ =	strace $0x80000048  }
0xb9: {  	_ =	swait.ge [sflag:s29], $0x1  }
0xba: {  	[sflag:s29] =	ssyncadd.s32 $0xFFFFFFFF  }
0xbb: {  	_ =	strace $0x90000048  }
0xbc: {  	_ =	sfence  }
0xbd: {  	s30 =	sld [smem:$0x0];
	_ =	sdelay $0x2  }
0xbe: {  	s31 =	sshll.u32 s1, $0xD;
	s1 =	sshrl.u32 s1, $0x2  }
0xbf: {  	s3 =	sand.u32 $0x4000, s31;
	s1 =	sadd.s32 s1, s30  }
0xc0: {  	s0 =	sor.u32 s3, s0;
	s1 =	sshll.u32 s1, $0x11  }
0xc1: {  	s0 =	sor.u32 s1, s0  }
0xc2: {  	s0 =	sadd.s32 $0x8F2B, s0  }
0xc3: {  	[sflag:s0] =	ssyncadd.remote.s32 $0x1  }
0xc4: {  	_ =	sfence.sel $0xFFFF  }
0xc5: {  	[dreg:$0x0] =	wrdreg $0xFFFFFFFF;
	(pc) =	sbr.abs _section_cstart, $3  }
0xc6: {  	[dreg:$0x1] =	wrdreg $0xFFFFFFFF  }
0xc7: {  	_ =	task.clear_ibuf [dreg:s7], $0x2FFFF;
	_ =	strace $0x9FFFFFFF  }
0xc8: {  	(tm) =	ssettm $0x7FFFFFFF  }
0xc9: {  	_ =	shalt  }
tec
execute0_lowered:
.L_overlay_start_1:
0x0: {  	(tag) =	ssettag $0x1  }
0x1: {  	s1 =	srdreg.scid;
	s0 =	stileid.u32  }
0x2: {  	s2 =	rddreg [dreg:$0x0];
	s14 =	sand.u32 $0x1, s1;
	s29 =	sshll.u32 s0, $0x1  }
0x3: {  	s13 =	rddreg [dreg:$0x1];
	s15 =	sor.u32 s14, s29  }
0x4: {  	s3 =	simm.s32 $0x0;
	s1 =	rddreg [dreg:$0x2];
	s4 =	sshll.u32 s15, $0x6  }
0x5: {  	[smem:$0x7FF] =	sst s3;
	s4 =	sadd.s32 s4, s13  }
0x6: {  	_ =	strace $0x80000047;
	s5 =	sadd.s32 $0x25C00, s4;
	s4 =	simm.s32 $0x2  }
0x7: {  	[tilespmem:s3], [sflag:$0x2] =	stream.linear.gather [hbm4b:s5+s3], $0x180, $0x38;
	[tilespmem:$0x9200] =	vst v63  }
0x8: {  	_ =	swait.ge [sflag:s4], $0x180  }
0x9: {  	[sflag:s4] =	ssyncset.done $0x0  }
0xa: {  	s6 =	simm.s32 $0x60;
	s7 =	simm.s32 $0x200;
	[sflag:s4] =	ssyncadd.s32 $0xFFFFFE80  }
0xb: {  	[tilespmem:s7], [sflag:$0x1] =	stream.indirect.gather [hbm4b:s2+s6], $0x80, s3, s6, $0xb8;
	[tilespmem:$0x9200] =	vst v63  }
0xc: {  	s8 =	simm.s32 $0x80;
	s9 =	simm.s32 $0x3200  }
0xd: {  	[tilespmem:s9], [sflag:$0x1] =	stream.indirect.gather [hbm4b:s2+s6], $0x80, s8, s6, $0xb8;
	[tilespmem:$0x9200] =	vst v63  }
0xe: {  	s10 =	simm.s32 $0x100;
	s11 =	simm.s32 $0x6200;
	s12 =	simm.s32 $0x1  }
0xf: {  	[tilespmem:s11], [sflag:$0x1] =	stream.indirect.gather [hbm4b:s2+s6], $0x80, s10, s6, $0xb8;
	[tilespmem:$0x9200] =	vst v63  }
0x10: {  	_ =	swait.ge [sflag:s12], $0x3000  }
0x11: {  	[sflag:s12] =	ssyncset.done $0x0  }
0x12: {  	[sflag:s12] =	ssyncadd.s32 $0xFFFFD000  }
0x13: {  	_ =	swait.ge [sflag:s12], $0x3000  }
0x14: {  	[sflag:s12] =	ssyncset.done $0x0  }
0x15: {  	[sflag:s12] =	ssyncadd.s32 $0xFFFFD000  }
0x16: {  	s16 =	smul.u32 $0x1200, s15;
	_ =	swait.ge [sflag:s12], $0x3000  }
0x17: {  	s17 =	sadd.s32 $0x26400, s13;
	s30 =	ssub.s32 $0x2, s14;
	[sflag:s12] =	ssyncset.done $0x0  }
0x18: {  	s15 =	smul.u32 $0x9000, s15;
	s13 =	sadd.s32 s17, s16;
	[sflag:s12] =	ssyncadd.s32 $0xFFFFD000  }
0x19: {  	[hbm4b:s13+s3] =	stream.linear.scatter [tilespmem:s7], [sflag:$0x2], $0x3000, $0x38;
	[tilespmem:$0x9200] =	vst v63  }
0x1a: {  	s31 =	sshrl.u32 s30, $0x1;
	s15 =	sshrl.u32 s15, $0x3;
	_ =	swait.ge [sflag:s4], $0x3000  }
0x1b: {  	s16 =	ssub.s32 s30, s31;
	s15 =	sadd.s32 s17, s15;
	[sflag:s4] =	ssyncset.done $0x0  }
0x1c: {  	s16 =	smax.u32 s16, $0x1;
	s14 =	sadd.s32 $0x600, s15;
	[sflag:s4] =	ssyncadd.s32 $0xFFFFD000  }
0x1d: {  	[hbm4b:s14+s3] =	stream.linear.scatter [tilespmem:s9], [sflag:$0x2], $0x3000, $0x38;
	[tilespmem:$0x9200] =	vst v63  }
0x1e: {  	p0 =	sne.s32 s16, $0x1;
	_ =	swait.ge [sflag:s4], $0x3000  }
.Ltmp0:
0x1f: {  	[sflag:s4] =	ssyncset.done $0x0;
	(pc) =	sbr.rel @!p0 .LBB2_2-.Ltmp0, $4  }
0x20: {  	s15 =	sadd.s32 $0xC00, s15;
	[sflag:s4] =	ssyncadd.s32 $0xFFFFD000  }
0x21: {  	[hbm4b:s15+s3] =	stream.linear.scatter [tilespmem:s11], [sflag:$0x2], $0x3000, $0x38;
	[tilespmem:$0x9200] =	vst v63  }
0x22: {  	_ =	swait.ge [sflag:s4], $0x3000  }
0x23: {  	s16 =	sadd.s32 $0xFFFFFFFF, s16;
	[sflag:s4] =	ssyncset.done $0x0  }
.LBB2_1:
0x24: {  	p0 =	sne.s32 s16, $0x1;
	s16 =	sadd.s32 $0xFFFFFFFF, s16;
	[sflag:s4] =	ssyncadd.s32 $0xFFFFD000  }
0x25: {  	[tilespmem:s3], [sflag:$0x2] =	stream.linear.gather [hbm4b:s5+s3], $0x180, $0x38;
	[tilespmem:$0x9200] =	vst v63  }
0x26: {  	_ =	swait.ge [sflag:s4], $0x180  }
0x27: {  	[sflag:s4] =	ssyncset.done $0x0  }
0x28: {  	[sflag:s4] =	ssyncadd.s32 $0xFFFFFE80  }
0x29: {  	[tilespmem:s7], [sflag:$0x1] =	stream.indirect.gather [hbm4b:s2+s6], $0x80, s3, s6, $0xb8;
	[tilespmem:$0x9200] =	vst v63  }
0x2a: {  	_ = 	snop  }
0x2b: {  	[tilespmem:s9], [sflag:$0x1] =	stream.indirect.gather [hbm4b:s2+s6], $0x80, s8, s6, $0xb8;
	[tilespmem:$0x9200] =	vst v63  }
0x2c: {  	_ = 	snop  }
0x2d: {  	[tilespmem:s11], [sflag:$0x1] =	stream.indirect.gather [hbm4b:s2+s6], $0x80, s10, s6, $0xb8;
	[tilespmem:$0x9200] =	vst v63  }
0x2e: {  	_ =	swait.ge [sflag:s12], $0x3000  }
0x2f: {  	[sflag:s12] =	ssyncset.done $0x0  }
0x30: {  	[sflag:s12] =	ssyncadd.s32 $0xFFFFD000  }
0x31: {  	_ =	swait.ge [sflag:s12], $0x3000  }
0x32: {  	[sflag:s12] =	ssyncset.done $0x0  }
0x33: {  	[sflag:s12] =	ssyncadd.s32 $0xFFFFD000  }
0x34: {  	_ =	swait.ge [sflag:s12], $0x3000  }
0x35: {  	[sflag:s12] =	ssyncset.done $0x0  }
0x36: {  	[sflag:s12] =	ssyncadd.s32 $0xFFFFD000  }
0x37: {  	[hbm4b:s13+s3] =	stream.linear.scatter [tilespmem:s7], [sflag:$0x2], $0x3000, $0x38;
	[tilespmem:$0x9200] =	vst v63  }
0x38: {  	_ =	swait.ge [sflag:s4], $0x3000  }
0x39: {  	[sflag:s4] =	ssyncset.done $0x0  }
0x3a: {  	[sflag:s4] =	ssyncadd.s32 $0xFFFFD000  }
0x3b: {  	[hbm4b:s14+s3] =	stream.linear.scatter [tilespmem:s9], [sflag:$0x2], $0x3000, $0x38;
	[tilespmem:$0x9200] =	vst v63  }
0x3c: {  	_ =	swait.ge [sflag:s4], $0x3000  }
.Ltmp1:
0x3d: {  	[sflag:s4] =	ssyncset.done $0x0;
	(pc) =	sbr.rel @p0 .LBB2_1-.Ltmp1, $4  }
0x3e: {  	[sflag:s4] =	ssyncadd.s32 $0xFFFFD000  }
0x3f: {  	[hbm4b:s15+s3] =	stream.linear.scatter [tilespmem:s11], [sflag:$0x2], $0x3000, $0x38;
	[tilespmem:$0x9200] =	vst v63  }
0x40: {  	_ =	swait.ge [sflag:s4], $0x3000  }
0x41: {  	[sflag:s4] =	ssyncset.done $0x0  }
.LBB2_2:
0x42: {  	[sflag:s4] =	ssyncadd.s32 $0xFFFFD000  }
0x43: {  	_ =	sfence.sel $0x180000  }
0x44: {  	[bflag:$0x0] =	sbarrier.arrive $0xFFFF  }
0x45: {  	p0 =	sne.s32 s0, $0x0;
	_ =	strace $0x90000047  }
0x46: {  	s0 =	sadd.s32 @!p0 $0x100000, s1;
	[bflag:$0x2] =	sbarrier.arrive $0xFFFF  }
0x47: {  	[sflag:s0] =	ssyncadd.tile.s32 @!p0 $0x1;
	_ =	shalt  }
.Lfunc_end2:
_tile_overlayer_lowered:
.L_overlay_start_2:
0x48: {  	(tag) =	ssettag $0x2  }
0x49: {  	s0 =	rddreg [dreg:$0x0];
	s2 =	stileid.u32  }
0x4a: {  	s1 =	rddreg [dreg:$0x1];
	p0 =	sne.s32 s2, $0x0  }
0x4b: {  	s3 =	rddreg [dreg:$0x2];
	[bflag:$0x3] =	sbarrier.arrive $0xFFFF;
	s2 =	simm.s32 @!p0 $0x1C02  }
0x4c: {  	[timem:s3], [sflag:s2] =	dma.local @!p0 [hbm:s0], s1  }
0x4d: {  	s0 =	simm.s32 @!p0 $0x2  }
0x4e: {  	_ =	swait.ge @!p0 [sflag:s0], s1  }
0x4f: {  	s1 =	ssub.s32 @!p0 $0x0, s1;
	[sflag:s0] =	ssyncset.done @!p0 $0x0  }
0x50: {  	[sflag:s0] =	ssyncadd.s32 @!p0 s1  }
0x51: {  	[bflag:$0x3] =	sbarrier.arrive $0xFFFF  }
0x52: {  	_ =	shalt  }

</sc_bundles>
